<compile_context>
chip_gen: v7x
topology: tpu7x:2x2x1
jax: 0.10.2.dev20260603
libtpu: 0.0.44.dev20260713+nightly
codegen_flags: <defaults>
</compile_context>

<pallas_src>
import functools

import jax
import jax.numpy as jnp
from jax import lax
from jax.experimental import pallas as pl
from jax.experimental.pallas import tpu as pltpu
from jax.experimental.pallas import tpu_sc as plsc

B, H, SQ, SK, D = 8, 16, 16, 2048, 64
K = 32
ROWS = B * H * SQ
KB = 1024

NW = 32
RPW = ROWS // NW
RB = 16


def _chain_fold(c, axis):
    def sl(lo, hi):
        if axis == 0:
            return c[lo:hi]
        return c[:, lo:hi]
    s8 = sl(0, 8)
    for g in range(1, 8):
        s8 = s8 + sl(8 * g, 8 * g + 8)
    def half(x, w):
        if axis == 0:
            return x[0:w] + x[w:2 * w]
        return x[:, 0:w] + x[:, w:2 * w]
    s4 = half(s8, 4)
    s2 = half(s4, 2)
    s1 = half(s2, 1)
    return s1, s8, s4, s2


def _scores_body(q_ref, k_ref, o_ref):
    q = q_ref[0]
    k = k_ref[0]
    ct = jnp.transpose(k, (1, 0))
    ct = ct * ct
    kn2, s8, s4, s2 = _chain_fold(ct, axis=0)
    kn = jnp.sqrt(kn2)
    knm = jnp.max(kn)
    ex = jnp.sqrt(jnp.maximum(knm * knm - kn * kn, 0.0))
    exx = ex * ex
    u0 = (s8[0:1] + exx) + s8[4:5]
    w0 = u0 + s4[2:3]
    k_sq = w0 + s2[1:2]

    def rot(x, s):
        return jnp.concatenate([x[:, s:], x[:, :s]], axis=1)
    cq = q * q
    y = cq + rot(cq, 1)
    y = y + rot(y, 2)
    y = y + rot(y, 4)
    c = y + rot(y, 16)
    c = c + rot(y, 32)
    c = c + rot(y, 48)
    z = c + rot(c, 8)
    qn2 = z[:, 0:1]
    qn = jnp.maximum(jnp.sqrt(qn2), 1e-6)
    r = knm / qn
    qq = r * q
    cqq = qq * qq
    q_sq, _, _, _ = _chain_fold(cqq, axis=1)
    dots = lax.dot_general(
        qq, k, (((1,), (1,)), ((), ())),
        preferred_element_type=jnp.float32)
    o_ref[...] = 2.0 * dots - (q_sq + k_sq)


def _scores_tc(query, keys):
    qf = query.reshape(B * H, SQ, D)
    kf = keys.reshape(B * H, SK, D)
    return pl.pallas_call(
        _scores_body,
        grid=(B * H,),
        in_specs=[
            pl.BlockSpec((1, SQ, D), lambda i: (i, 0, 0)),
            pl.BlockSpec((1, SK, D), lambda i: (i, 0, 0)),
        ],
        out_specs=pl.BlockSpec((SQ, SK), lambda i: (i, 0)),
        out_shape=jax.ShapeDtypeStruct((ROWS, SK), jnp.float32),
    )(qf, kf)


def _sort16(k, v):
    nk, sv = lax.sort((-k, v), dimension=0, num_keys=1)
    return -nk, sv


def _leaf(a, ai, b, bi):
    ak, av = _sort16(a, ai)
    bk, bv = _sort16(b, bi)
    rbk = lax.rev(bk, (0,))
    rbv = lax.rev(bv, (0,))
    m = (ak > rbk) | ((ak == rbk) & (av < rbv))
    hk = jnp.where(m, ak, rbk)
    hv = jnp.where(m, av, rbv)
    lk = jnp.where(m, rbk, ak)
    lv = jnp.where(m, rbv, av)
    hk, hv = _sort16(hk, hv)
    lk, lv = _sort16(lk, lv)
    return hk, hv, lk, lv


def _merge32(x, y):
    xk0, xv0, xk1, xv1 = x
    yk0, yv0, yk1, yv1 = y
    ryk0 = lax.rev(yk1, (0,))
    ryv0 = lax.rev(yv1, (0,))
    ryk1 = lax.rev(yk0, (0,))
    ryv1 = lax.rev(yv0, (0,))
    m0 = (xk0 > ryk0) | ((xk0 == ryk0) & (xv0 < ryv0))
    h0k = jnp.where(m0, xk0, ryk0)
    h0v = jnp.where(m0, xv0, ryv0)
    m1 = (xk1 > ryk1) | ((xk1 == ryk1) & (xv1 < ryv1))
    h1k = jnp.where(m1, xk1, ryk1)
    h1v = jnp.where(m1, xv1, ryv1)
    m = (h0k > h1k) | ((h0k == h1k) & (h0v < h1v))
    uk = jnp.where(m, h0k, h1k)
    uv = jnp.where(m, h0v, h1v)
    lk = jnp.where(m, h1k, h0k)
    lv = jnp.where(m, h1v, h0v)
    uk, uv = _sort16(uk, uv)
    lk, lv = _sort16(lk, lv)
    return uk, uv, lk, lv


def _topk_sc(scores_hbm, out_hbm, buf, obuf):
    wid = lax.axis_index("s") * 2 + lax.axis_index("c")
    base = wid * RPW
    iota = lax.iota(jnp.int32, 16)

    def row_leaf(i, g):
        a = buf[i, pl.ds(32 * g, 16)]
        b = buf[i, pl.ds(32 * g + 16, 16)]
        return _leaf(a, iota + 32 * g, b, iota + 32 * g + 16)

    def row_body(i, _):
        acc0 = row_leaf(i, 0)
        acc1 = row_leaf(i, 1)

        def grp_body(g, carry):
            a0, a1 = carry
            a0 = _merge32(a0, row_leaf(i, 2 * g))
            a1 = _merge32(a1, row_leaf(i, 2 * g + 1))
            return a0, a1

        acc0, acc1 = lax.fori_loop(1, 32, grp_body, (acc0, acc1))
        uk, uv, lk, lv = _merge32(acc0, acc1)
        obuf[i, pl.ds(0, 16)] = uv
        obuf[i, pl.ds(16, 16)] = lv
        return 0

    def block_body(bi, _):
        row0 = base + bi * RB
        pltpu.sync_copy(scores_hbm.at[pl.ds(row0, RB)], buf)
        lax.fori_loop(0, RB, row_body, 0)
        pltpu.sync_copy(obuf, out_hbm.at[pl.ds(row0, RB)])
        return 0

    lax.fori_loop(0, RPW // RB, block_body, 0)


def kernel(keys, query):
    scores = _scores_tc(query, keys)
    mesh = plsc.VectorSubcoreMesh(core_axis_name="c", subcore_axis_name="s")
    topk = functools.partial(
        pl.kernel,
        out_type=jax.ShapeDtypeStruct((ROWS, K), jnp.int32),
        mesh=mesh,
        scratch_types=[
            pltpu.VMEM((RB, SK), jnp.float32),
            pltpu.VMEM((RB, K), jnp.int32),
        ],
        compiler_params=pltpu.CompilerParams(needs_layout_passes=False),
    )(_topk_sc)
    idx = topk(scores)
    return idx.reshape(B, H, SQ, K)

# --- scband reference (transcript-rebuilt; emitter-appended) ---
"""Pipeline reference for scband-anns-hnsw-21277267984599 (READ-ONLY COPY).

The authoritative reference and input builder live on the scoring server;
editing this copy changes nothing except your own understanding.
"""

import jax, jax.numpy as jnp
import numpy as np

SAMPLE_SIZE = 32

def setup_inputs(seed: int = 0) -> dict:
    key = jax.random.key(seed)
    k1, k2 = jax.random.split(key)
    keys = jax.random.normal(k1, (8, 16, 2048, 64), dtype=jnp.float32)
    query = jax.random.normal(k2, (8, 16, 16, 64), dtype=jnp.float32)
    return {"keys": keys, "query": query}

def _transform_key(k):
    # QNF transform: append extra dim so that L2-NN on transformed vectors == MIPS on originals
    key_norm = jnp.linalg.norm(k, axis=-1)                      # [B,H,Sk]
    key_norm_max = jnp.max(key_norm, axis=-1, keepdims=True)    # [B,H,1]
    key_extra = jnp.sqrt(jnp.maximum(key_norm_max ** 2 - key_norm ** 2, 0.0))
    key_qnf = jnp.concatenate([k, key_extra[..., None]], axis=-1)  # [B,H,Sk,d+1]
    return key_qnf, key_norm_max

def _transform_query(q, key_norm_max):
    query_norm = jnp.maximum(jnp.linalg.norm(q, axis=-1), 1e-6)  # [B,H,Sq]
    r = key_norm_max / query_norm                                # [B,H,Sq]
    query_qnf = jnp.concatenate([r[..., None] * q, jnp.zeros_like(query_norm)[..., None]], axis=-1)
    return query_qnf                                             # [B,H,Sq,d+1]

def reference(keys, query):
    # Faithful dense equivalent of HNSW ANNS: build_indices(keys) then anns_samples(query).
    # Each (batch, head) pair is an independent index; exact L2 kNN replaces approximate HNSW search.
    key_qnf, key_norm_max = _transform_key(keys)
    query_qnf = _transform_query(query, key_norm_max)
    q_sq = jnp.sum(query_qnf ** 2, axis=-1, keepdims=True)       # [B,H,Sq,1]
    k_sq = jnp.sum(key_qnf ** 2, axis=-1)                        # [B,H,Sk]
    dots = jnp.einsum('bhqd,bhkd->bhqk', query_qnf, key_qnf)     # [B,H,Sq,Sk]
    dist = q_sq + k_sq[..., None, :] - 2.0 * dots                # squared L2 distance
    _, idx = jax.lax.top_k(-dist, SAMPLE_SIZE)                   # k nearest neighbor ids per query
    return idx                                                   # int32 [B,H,Sq,sample_size]

if __name__ == "__main__":
    import jax
    _d = setup_inputs()
    print(jax.jit(kernel)(*tuple(_d.values())))

</pallas_src>

<mosaic_0001>
#map = affine_map<(d0, d1) -> (0, 0)>
module attributes {stable_mosaic.version = 14 : i64} {
  func.func @_topk_sc(%arg0: i32, %arg1: i32, %arg2: memref<2048x2048xf32, #tpu.memory_space<hbm>>, %arg3: memref<2048x32xi32, #tpu.memory_space<hbm>>, %arg4: memref<16x2048xf32, #tpu.memory_space<vmem>>, %arg5: memref<16x32xi32, #tpu.memory_space<vmem>>) attributes {dimension_semantics = [#tpu.dimension_semantics<core_parallel>, #tpu.dimension_semantics<subcore_parallel>], iteration_bounds = array<i64: 2, 16>, scalar_prefetch = 0 : i64, scratch_operands = 2 : i64, tpu.core_type = #tpu.core_type<sc_vector_subcore>, window_params = [{transform_indices = #map}, {transform_indices = #map}]} {
    %mul3A = arith.constant 2 : i32
    %mul3A_0 = arith.muli %arg1, %mul3A : i32
    %add3A = arith.addi %mul3A_0, %arg0 : i32
    %mul3A_1 = arith.constant 64 : i32
    %mul3A_2 = arith.muli %add3A, %mul3A_1 : i32
    %iota3A = tpu.iota {dimensions = array<i32: 0>} : vector<16xi32>
    %scan3A = arith.constant 0 : i32
    %scan3A_3 = arith.constant 0 : i32
    %scan3A_4 = arith.constant 4 : i32
    %scan3A_5 = arith.addi %scan3A_3, %scan3A_4 : i32
    %scan3A_6 = arith.constant 1 : i32
    %scan3A_7 = scf.for %scan3A_9 = %scan3A_3 to %scan3A_5 step %scan3A_6 iter_args(%scan3A_10 = %scan3A) -> (i32)  : i32 {
      %mul3A_11 = arith.constant 16 : i32
      %mul3A_12 = arith.muli %scan3A_9, %mul3A_11 : i32
      %add3A_13 = arith.addi %mul3A_2, %mul3A_12 : i32
      "tpu.region"() ({
        %run_scoped3A = tpu.sem_alloc : memref<!tpu.dma_semaphore, #tpu.memory_space<semaphore_mem>>
        %dma_start3A = arith.constant 0 : i32
        %dma_start3A_22 = tpu.memref_slice %arg2[%add3A_13, %dma_start3A] : memref<2048x2048xf32, #tpu.memory_space<hbm>> -> memref<16x2048xf32, #tpu.memory_space<hbm>>
        %dma_start3A_23 = arith.constant 0 : i32
        %dma_start3A_24 = tpu.memref_slice %arg2[%add3A_13, %dma_start3A_23] : memref<2048x2048xf32, #tpu.memory_space<hbm>> -> memref<16x2048xf32, #tpu.memory_space<hbm>>
        tpu.enqueue_dma source(%dma_start3A_24 : memref<16x2048xf32, #tpu.memory_space<hbm>>) target(%arg4 : memref<16x2048xf32, #tpu.memory_space<vmem>>) target_semaphore(%run_scoped3A : memref<!tpu.dma_semaphore, #tpu.memory_space<semaphore_mem>>)
        %dma_wait3A = arith.constant 0 : i32
        %dma_wait3A_25 = tpu.memref_slice %arg2[%add3A_13, %dma_wait3A] : memref<2048x2048xf32, #tpu.memory_space<hbm>> -> memref<16x2048xf32, #tpu.memory_space<hbm>>
        %dma_wait3A_26 = arith.constant 0 : i32
        %dma_wait3A_27 = tpu.memref_slice %arg2[%add3A_13, %dma_wait3A_26] : memref<2048x2048xf32, #tpu.memory_space<hbm>> -> memref<16x2048xf32, #tpu.memory_space<hbm>>
        tpu.wait_dma2 semaphore(%run_scoped3A : memref<!tpu.dma_semaphore, #tpu.memory_space<semaphore_mem>>) src(%dma_wait3A_27 : memref<16x2048xf32, #tpu.memory_space<hbm>>) dst(%arg4 : memref<16x2048xf32, #tpu.memory_space<vmem>>)
        tpu.yield
      }) : () -> ()
      %scan3A_14 = arith.constant 0 : i32
      %scan3A_15 = arith.constant 0 : i32
      %scan3A_16 = arith.constant 16 : i32
      %scan3A_17 = arith.addi %scan3A_15, %scan3A_16 : i32
      %scan3A_18 = arith.constant 1 : i32
      %scan3A_19 = scf.for %scan3A_22 = %scan3A_15 to %scan3A_17 step %scan3A_18 iter_args(%scan3A_23 = %scan3A_14) -> (i32)  : i32 {
        %get3A = arith.index_cast %scan3A_22 : i32 to index
        %get3A_24 = arith.constant 0 : index
        %get3A_25 = tpu.vector_load %arg4[%get3A, %get3A_24] {strides = array<i32>} : memref<16x2048xf32, #tpu.memory_space<vmem>>, vector<16xf32>,
        %get3A_26 = arith.index_cast %scan3A_22 : i32 to index
        %get3A_27 = arith.constant 16 : index
        %get3A_28 = tpu.vector_load %arg4[%get3A_26, %get3A_27] {strides = array<i32>} : memref<16x2048xf32, #tpu.memory_space<vmem>>, vector<16xf32>,
        %add3A_29 = arith.constant 0 : i32
        %add3A_30 = vector.broadcast %add3A_29 : i32 to vector<16xi32>
        %add3A_31 = arith.addi %iota3A, %add3A_30 : vector<16xi32>
        %add3A_32 = arith.constant 0 : i32
        %add3A_33 = vector.broadcast %add3A_32 : i32 to vector<16xi32>
        %add3A_34 = arith.addi %iota3A, %add3A_33 : vector<16xi32>
        %add3A_35 = arith.constant 16 : i32
        %add3A_36 = vector.broadcast %add3A_35 : i32 to vector<16xi32>
        %add3A_37 = arith.addi %add3A_34, %add3A_36 : vector<16xi32>
        %neg3A = arith.constant 0.000000e+00 : f32
        %neg3A_38 = vector.broadcast %neg3A : f32 to vector<16xf32>
        %neg3A_39 = arith.subf %neg3A_38, %get3A_25 : vector<16xf32>
        %sort3A = arith.constant dense<true> : vector<16xi1>
        %sort3A_40, %sort3A_41, %sort3A_42 = tpu.sort %neg3A_39, %add3A_31 masked %sort3A : (vector<16xf32>, vector<16xi32>, vector<16xi1>) -> (vector<16xi1>, vector<16xf32>, vector<16xi32>)
        %neg3A_43 = arith.constant 0.000000e+00 : f32
        %neg3A_44 = vector.broadcast %neg3A_43 : f32 to vector<16xf32>
        %neg3A_45 = arith.subf %neg3A_44, %sort3A_41 : vector<16xf32>
        %neg3A_46 = arith.constant 0.000000e+00 : f32
        %neg3A_47 = vector.broadcast %neg3A_46 : f32 to vector<16xf32>
        %neg3A_48 = arith.subf %neg3A_47, %get3A_28 : vector<16xf32>
        %sort3A_49 = arith.constant dense<true> : vector<16xi1>
        %sort3A_50, %sort3A_51, %sort3A_52 = tpu.sort %neg3A_48, %add3A_37 masked %sort3A_49 : (vector<16xf32>, vector<16xi32>, vector<16xi1>) -> (vector<16xi1>, vector<16xf32>, vector<16xi32>)
        %neg3A_53 = arith.constant 0.000000e+00 : f32
        %neg3A_54 = vector.broadcast %neg3A_53 : f32 to vector<16xf32>
        %neg3A_55 = arith.subf %neg3A_54, %sort3A_51 : vector<16xf32>
        %rev3A = arith.constant 15 : i32
        %rev3A_56 = vector.broadcast %rev3A : i32 to vector<16xi32>
        %rev3A_57 = tpu.iota {dimensions = array<i32: 0>} : vector<16xi32>
        %rev3A_58 = arith.subi %rev3A_56, %rev3A_57 : vector<16xi32>
        %rev3A_59 = tpu.dynamic_gather %neg3A_55[%rev3A_58] in [0] : vector<16xf32>, vector<16xi32> -> vector<16xf32>
        %rev3A_60 = arith.constant 15 : i32
        %rev3A_61 = vector.broadcast %rev3A_60 : i32 to vector<16xi32>
        %rev3A_62 = tpu.iota {dimensions = array<i32: 0>} : vector<16xi32>
        %rev3A_63 = arith.subi %rev3A_61, %rev3A_62 : vector<16xi32>
        %rev3A_64 = tpu.dynamic_gather %sort3A_52[%rev3A_63] in [0] : vector<16xi32>, vector<16xi32> -> vector<16xi32>
        %gt3A = arith.cmpf ogt, %neg3A_45, %rev3A_59 : vector<16xf32>
        %eq3A = arith.cmpf oeq, %neg3A_45, %rev3A_59 : vector<16xf32>
        %lt3A = arith.cmpi slt, %sort3A_42, %rev3A_64 : vector<16xi32>
        %and3A = arith.andi %eq3A, %lt3A : vector<16xi1>
        %or3A = arith.ori %gt3A, %and3A : vector<16xi1>
        %select_n3A = arith.select %or3A, %neg3A_45, %rev3A_59 : vector<16xi1>, vector<16xf32>
        %select_n3A_65 = arith.select %or3A, %sort3A_42, %rev3A_64 : vector<16xi1>, vector<16xi32>
        %select_n3A_66 = arith.select %or3A, %rev3A_59, %neg3A_45 : vector<16xi1>, vector<16xf32>
        %select_n3A_67 = arith.select %or3A, %rev3A_64, %sort3A_42 : vector<16xi1>, vector<16xi32>
        %neg3A_68 = arith.constant 0.000000e+00 : f32
        %neg3A_69 = vector.broadcast %neg3A_68 : f32 to vector<16xf32>
        %neg3A_70 = arith.subf %neg3A_69, %select_n3A : vector<16xf32>
        %sort3A_71 = arith.constant dense<true> : vector<16xi1>
        %sort3A_72, %sort3A_73, %sort3A_74 = tpu.sort %neg3A_70, %select_n3A_65 masked %sort3A_71 : (vector<16xf32>, vector<16xi32>, vector<16xi1>) -> (vector<16xi1>, vector<16xf32>, vector<16xi32>)
        %neg3A_75 = arith.constant 0.000000e+00 : f32
        %neg3A_76 = vector.broadcast %neg3A_75 : f32 to vector<16xf32>
        %neg3A_77 = arith.subf %neg3A_76, %sort3A_73 : vector<16xf32>
        %neg3A_78 = arith.constant 0.000000e+00 : f32
        %neg3A_79 = vector.broadcast %neg3A_78 : f32 to vector<16xf32>
        %neg3A_80 = arith.subf %neg3A_79, %select_n3A_66 : vector<16xf32>
        %sort3A_81 = arith.constant dense<true> : vector<16xi1>
        %sort3A_82, %sort3A_83, %sort3A_84 = tpu.sort %neg3A_80, %select_n3A_67 masked %sort3A_81 : (vector<16xf32>, vector<16xi32>, vector<16xi1>) -> (vector<16xi1>, vector<16xf32>, vector<16xi32>)
        %neg3A_85 = arith.constant 0.000000e+00 : f32
        %neg3A_86 = vector.broadcast %neg3A_85 : f32 to vector<16xf32>
        %neg3A_87 = arith.subf %neg3A_86, %sort3A_83 : vector<16xf32>
        %get3A_88 = arith.index_cast %scan3A_22 : i32 to index
        %get3A_89 = arith.constant 32 : index
        %get3A_90 = tpu.vector_load %arg4[%get3A_88, %get3A_89] {strides = array<i32>} : memref<16x2048xf32, #tpu.memory_space<vmem>>, vector<16xf32>,
        %get3A_91 = arith.index_cast %scan3A_22 : i32 to index
        %get3A_92 = arith.constant 48 : index
        %get3A_93 = tpu.vector_load %arg4[%get3A_91, %get3A_92] {strides = array<i32>} : memref<16x2048xf32, #tpu.memory_space<vmem>>, vector<16xf32>,
        %add3A_94 = arith.constant 32 : i32
        %add3A_95 = vector.broadcast %add3A_94 : i32 to vector<16xi32>
        %add3A_96 = arith.addi %iota3A, %add3A_95 : vector<16xi32>
        %add3A_97 = arith.constant 32 : i32
        %add3A_98 = vector.broadcast %add3A_97 : i32 to vector<16xi32>
        %add3A_99 = arith.addi %iota3A, %add3A_98 : vector<16xi32>
        %add3A_100 = arith.constant 16 : i32
        %add3A_101 = vector.broadcast %add3A_100 : i32 to vector<16xi32>
        %add3A_102 = arith.addi %add3A_99, %add3A_101 : vector<16xi32>
        %neg3A_103 = arith.constant 0.000000e+00 : f32
        %neg3A_104 = vector.broadcast %neg3A_103 : f32 to vector<16xf32>
        %neg3A_105 = arith.subf %neg3A_104, %get3A_90 : vector<16xf32>
        %sort3A_106 = arith.constant dense<true> : vector<16xi1>
        %sort3A_107, %sort3A_108, %sort3A_109 = tpu.sort %neg3A_105, %add3A_96 masked %sort3A_106 : (vector<16xf32>, vector<16xi32>, vector<16xi1>) -> (vector<16xi1>, vector<16xf32>, vector<16xi32>)
        %neg3A_110 = arith.constant 0.000000e+00 : f32
        %neg3A_111 = vector.broadcast %neg3A_110 : f32 to vector<16xf32>
        %neg3A_112 = arith.subf %neg3A_111, %sort3A_108 : vector<16xf32>
        %neg3A_113 = arith.constant 0.000000e+00 : f32
        %neg3A_114 = vector.broadcast %neg3A_113 : f32 to vector<16xf32>
        %neg3A_115 = arith.subf %neg3A_114, %get3A_93 : vector<16xf32>
        %sort3A_116 = arith.constant dense<true> : vector<16xi1>
        %sort3A_117, %sort3A_118, %sort3A_119 = tpu.sort %neg3A_115, %add3A_102 masked %sort3A_116 : (vector<16xf32>, vector<16xi32>, vector<16xi1>) -> (vector<16xi1>, vector<16xf32>, vector<16xi32>)
        %neg3A_120 = arith.constant 0.000000e+00 : f32
        %neg3A_121 = vector.broadcast %neg3A_120 : f32 to vector<16xf32>
        %neg3A_122 = arith.subf %neg3A_121, %sort3A_118 : vector<16xf32>
        %rev3A_123 = arith.constant 15 : i32
        %rev3A_124 = vector.broadcast %rev3A_123 : i32 to vector<16xi32>
        %rev3A_125 = tpu.iota {dimensions = array<i32: 0>} : vector<16xi32>
        %rev3A_126 = arith.subi %rev3A_124, %rev3A_125 : vector<16xi32>
        %rev3A_127 = tpu.dynamic_gather %neg3A_122[%rev3A_126] in [0] : vector<16xf32>, vector<16xi32> -> vector<16xf32>
        %rev3A_128 = arith.constant 15 : i32
        %rev3A_129 = vector.broadcast %rev3A_128 : i32 to vector<16xi32>
        %rev3A_130 = tpu.iota {dimensions = array<i32: 0>} : vector<16xi32>
        %rev3A_131 = arith.subi %rev3A_129, %rev3A_130 : vector<16xi32>
        %rev3A_132 = tpu.dynamic_gather %sort3A_119[%rev3A_131] in [0] : vector<16xi32>, vector<16xi32> -> vector<16xi32>
        %gt3A_133 = arith.cmpf ogt, %neg3A_112, %rev3A_127 : vector<16xf32>
        %eq3A_134 = arith.cmpf oeq, %neg3A_112, %rev3A_127 : vector<16xf32>
        %lt3A_135 = arith.cmpi slt, %sort3A_109, %rev3A_132 : vector<16xi32>
        %and3A_136 = arith.andi %eq3A_134, %lt3A_135 : vector<16xi1>
        %or3A_137 = arith.ori %gt3A_133, %and3A_136 : vector<16xi1>
        %select_n3A_138 = arith.select %or3A_137, %neg3A_112, %rev3A_127 : vector<16xi1>, vector<16xf32>
        %select_n3A_139 = arith.select %or3A_137, %sort3A_109, %rev3A_132 : vector<16xi1>, vector<16xi32>
        %select_n3A_140 = arith.select %or3A_137, %rev3A_127, %neg3A_112 : vector<16xi1>, vector<16xf32>
        %select_n3A_141 = arith.select %or3A_137, %rev3A_132, %sort3A_109 : vector<16xi1>, vector<16xi32>
        %neg3A_142 = arith.constant 0.000000e+00 : f32
        %neg3A_143 = vector.broadcast %neg3A_142 : f32 to vector<16xf32>
        %neg3A_144 = arith.subf %neg3A_143, %select_n3A_138 : vector<16xf32>
        %sort3A_145 = arith.constant dense<true> : vector<16xi1>
        %sort3A_146, %sort3A_147, %sort3A_148 = tpu.sort %neg3A_144, %select_n3A_139 masked %sort3A_145 : (vector<16xf32>, vector<16xi32>, vector<16xi1>) -> (vector<16xi1>, vector<16xf32>, vector<16xi32>)
        %neg3A_149 = arith.constant 0.000000e+00 : f32
        %neg3A_150 = vector.broadcast %neg3A_149 : f32 to vector<16xf32>
        %neg3A_151 = arith.subf %neg3A_150, %sort3A_147 : vector<16xf32>
        %neg3A_152 = arith.constant 0.000000e+00 : f32
        %neg3A_153 = vector.broadcast %neg3A_152 : f32 to vector<16xf32>
        %neg3A_154 = arith.subf %neg3A_153, %select_n3A_140 : vector<16xf32>
        %sort3A_155 = arith.constant dense<true> : vector<16xi1>
        %sort3A_156, %sort3A_157, %sort3A_158 = tpu.sort %neg3A_154, %select_n3A_141 masked %sort3A_155 : (vector<16xf32>, vector<16xi32>, vector<16xi1>) -> (vector<16xi1>, vector<16xf32>, vector<16xi32>)
        %neg3A_159 = arith.constant 0.000000e+00 : f32
        %neg3A_160 = vector.broadcast %neg3A_159 : f32 to vector<16xf32>
        %neg3A_161 = arith.subf %neg3A_160, %sort3A_157 : vector<16xf32>
        %scan3A_162 = arith.constant 1 : i32
        %scan3A_163 = arith.constant 31 : i32
        %scan3A_164 = arith.addi %scan3A_162, %scan3A_163 : i32
        %scan3A_165 = arith.constant 1 : i32
        %scan3A_166:8 = scf.for %scan3A_237 = %scan3A_162 to %scan3A_164 step %scan3A_165 iter_args(%scan3A_238 = %neg3A_77, %scan3A_239 = %sort3A_74, %scan3A_240 = %neg3A_87, %scan3A_241 = %sort3A_84, %scan3A_242 = %neg3A_151, %scan3A_243 = %sort3A_148, %scan3A_244 = %neg3A_161, %scan3A_245 = %sort3A_158) -> (vector<16xf32>, vector<16xi32>, vector<16xf32>, vector<16xi32>, vector<16xf32>, vector<16xi32>, vector<16xf32>, vector<16xi32>)  : i32 {
          %mul3A_246 = arith.constant 2 : i32
          %mul3A_247 = arith.muli %mul3A_246, %scan3A_237 : i32
          %mul3A_248 = arith.constant 32 : i32
          %mul3A_249 = arith.muli %mul3A_248, %mul3A_247 : i32
          %get3A_250 = arith.index_cast %scan3A_22 : i32 to index
          %get3A_251 = arith.index_cast %mul3A_249 : i32 to index
          %get3A_252 = tpu.vector_load %arg4[%get3A_250, %get3A_251] {strides = array<i32>} : memref<16x2048xf32, #tpu.memory_space<vmem>>, vector<16xf32>,
          %mul3A_253 = arith.constant 32 : i32
          %mul3A_254 = arith.muli %mul3A_253, %mul3A_247 : i32
          %add3A_255 = arith.constant 16 : i32
          %add3A_256 = arith.addi %mul3A_254, %add3A_255 : i32
          %get3A_257 = arith.index_cast %scan3A_22 : i32 to index
          %get3A_258 = arith.index_cast %add3A_256 : i32 to index
          %get3A_259 = tpu.vector_load %arg4[%get3A_257, %get3A_258] {strides = array<i32>} : memref<16x2048xf32, #tpu.memory_space<vmem>>, vector<16xf32>,
          %mul3A_260 = arith.constant 32 : i32
          %mul3A_261 = arith.muli %mul3A_260, %mul3A_247 : i32
          %add3A_262 = vector.broadcast %mul3A_261 : i32 to vector<16xi32>
          %add3A_263 = arith.addi %iota3A, %add3A_262 : vector<16xi32>
          %mul3A_264 = arith.constant 32 : i32
          %mul3A_265 = arith.muli %mul3A_264, %mul3A_247 : i32
          %add3A_266 = vector.broadcast %mul3A_265 : i32 to vector<16xi32>
          %add3A_267 = arith.addi %iota3A, %add3A_266 : vector<16xi32>
          %add3A_268 = arith.constant 16 : i32
          %add3A_269 = vector.broadcast %add3A_268 : i32 to vector<16xi32>
          %add3A_270 = arith.addi %add3A_267, %add3A_269 : vector<16xi32>
          %neg3A_271 = arith.constant 0.000000e+00 : f32
          %neg3A_272 = vector.broadcast %neg3A_271 : f32 to vector<16xf32>
          %neg3A_273 = arith.subf %neg3A_272, %get3A_252 : vector<16xf32>
          %sort3A_274 = arith.constant dense<true> : vector<16xi1>
          %sort3A_275, %sort3A_276, %sort3A_277 = tpu.sort %neg3A_273, %add3A_263 masked %sort3A_274 : (vector<16xf32>, vector<16xi32>, vector<16xi1>) -> (vector<16xi1>, vector<16xf32>, vector<16xi32>)
          %neg3A_278 = arith.constant 0.000000e+00 : f32
          %neg3A_279 = vector.broadcast %neg3A_278 : f32 to vector<16xf32>
          %neg3A_280 = arith.subf %neg3A_279, %sort3A_276 : vector<16xf32>
          %neg3A_281 = arith.constant 0.000000e+00 : f32
          %neg3A_282 = vector.broadcast %neg3A_281 : f32 to vector<16xf32>
          %neg3A_283 = arith.subf %neg3A_282, %get3A_259 : vector<16xf32>
          %sort3A_284 = arith.constant dense<true> : vector<16xi1>
          %sort3A_285, %sort3A_286, %sort3A_287 = tpu.sort %neg3A_283, %add3A_270 masked %sort3A_284 : (vector<16xf32>, vector<16xi32>, vector<16xi1>) -> (vector<16xi1>, vector<16xf32>, vector<16xi32>)
          %neg3A_288 = arith.constant 0.000000e+00 : f32
          %neg3A_289 = vector.broadcast %neg3A_288 : f32 to vector<16xf32>
          %neg3A_290 = arith.subf %neg3A_289, %sort3A_286 : vector<16xf32>
          %rev3A_291 = arith.constant 15 : i32
          %rev3A_292 = vector.broadcast %rev3A_291 : i32 to vector<16xi32>
          %rev3A_293 = tpu.iota {dimensions = array<i32: 0>} : vector<16xi32>
          %rev3A_294 = arith.subi %rev3A_292, %rev3A_293 : vector<16xi32>
          %rev3A_295 = tpu.dynamic_gather %neg3A_290[%rev3A_294] in [0] : vector<16xf32>, vector<16xi32> -> vector<16xf32>
          %rev3A_296 = arith.constant 15 : i32
          %rev3A_297 = vector.broadcast %rev3A_296 : i32 to vector<16xi32>
          %rev3A_298 = tpu.iota {dimensions = array<i32: 0>} : vector<16xi32>
          %rev3A_299 = arith.subi %rev3A_297, %rev3A_298 : vector<16xi32>
          %rev3A_300 = tpu.dynamic_gather %sort3A_287[%rev3A_299] in [0] : vector<16xi32>, vector<16xi32> -> vector<16xi32>
          %gt3A_301 = arith.cmpf ogt, %neg3A_280, %rev3A_295 : vector<16xf32>
          %eq3A_302 = arith.cmpf oeq, %neg3A_280, %rev3A_295 : vector<16xf32>
          %lt3A_303 = arith.cmpi slt, %sort3A_277, %rev3A_300 : vector<16xi32>
          %and3A_304 = arith.andi %eq3A_302, %lt3A_303 : vector<16xi1>
          %or3A_305 = arith.ori %gt3A_301, %and3A_304 : vector<16xi1>
          %select_n3A_306 = arith.select %or3A_305, %neg3A_280, %rev3A_295 : vector<16xi1>, vector<16xf32>
          %select_n3A_307 = arith.select %or3A_305, %sort3A_277, %rev3A_300 : vector<16xi1>, vector<16xi32>
          %select_n3A_308 = arith.select %or3A_305, %rev3A_295, %neg3A_280 : vector<16xi1>, vector<16xf32>
          %select_n3A_309 = arith.select %or3A_305, %rev3A_300, %sort3A_277 : vector<16xi1>, vector<16xi32>
          %neg3A_310 = arith.constant 0.000000e+00 : f32
          %neg3A_311 = vector.broadcast %neg3A_310 : f32 to vector<16xf32>
          %neg3A_312 = arith.subf %neg3A_311, %select_n3A_306 : vector<16xf32>
          %sort3A_313 = arith.constant dense<true> : vector<16xi1>
          %sort3A_314, %sort3A_315, %sort3A_316 = tpu.sort %neg3A_312, %select_n3A_307 masked %sort3A_313 : (vector<16xf32>, vector<16xi32>, vector<16xi1>) -> (vector<16xi1>, vector<16xf32>, vector<16xi32>)
          %neg3A_317 = arith.constant 0.000000e+00 : f32
          %neg3A_318 = vector.broadcast %neg3A_317 : f32 to vector<16xf32>
          %neg3A_319 = arith.subf %neg3A_318, %sort3A_315 : vector<16xf32>
          %neg3A_320 = arith.constant 0.000000e+00 : f32
          %neg3A_321 = vector.broadcast %neg3A_320 : f32 to vector<16xf32>
          %neg3A_322 = arith.subf %neg3A_321, %select_n3A_308 : vector<16xf32>
          %sort3A_323 = arith.constant dense<true> : vector<16xi1>
          %sort3A_324, %sort3A_325, %sort3A_326 = tpu.sort %neg3A_322, %select_n3A_309 masked %sort3A_323 : (vector<16xf32>, vector<16xi32>, vector<16xi1>) -> (vector<16xi1>, vector<16xf32>, vector<16xi32>)
          %neg3A_327 = arith.constant 0.000000e+00 : f32
          %neg3A_328 = vector.broadcast %neg3A_327 : f32 to vector<16xf32>
          %neg3A_329 = arith.subf %neg3A_328, %sort3A_325 : vector<16xf32>
          %rev3A_330 = arith.constant 15 : i32
          %rev3A_331 = vector.broadcast %rev3A_330 : i32 to vector<16xi32>
          %rev3A_332 = tpu.iota {dimensions = array<i32: 0>} : vector<16xi32>
          %rev3A_333 = arith.subi %rev3A_331, %rev3A_332 : vector<16xi32>
          %rev3A_334 = tpu.dynamic_gather %neg3A_329[%rev3A_333] in [0] : vector<16xf32>, vector<16xi32> -> vector<16xf32>
          %rev3A_335 = arith.constant 15 : i32
          %rev3A_336 = vector.broadcast %rev3A_335 : i32 to vector<16xi32>
          %rev3A_337 = tpu.iota {dimensions = array<i32: 0>} : vector<16xi32>
          %rev3A_338 = arith.subi %rev3A_336, %rev3A_337 : vector<16xi32>
          %rev3A_339 = tpu.dynamic_gather %sort3A_326[%rev3A_338] in [0] : vector<16xi32>, vector<16xi32> -> vector<16xi32>
          %rev3A_340 = arith.constant 15 : i32
          %rev3A_341 = vector.broadcast %rev3A_340 : i32 to vector<16xi32>
          %rev3A_342 = tpu.iota {dimensions = array<i32: 0>} : vector<16xi32>
          %rev3A_343 = arith.subi %rev3A_341, %rev3A_342 : vector<16xi32>
          %rev3A_344 = tpu.dynamic_gather %neg3A_319[%rev3A_343] in [0] : vector<16xf32>, vector<16xi32> -> vector<16xf32>
          %rev3A_345 = arith.constant 15 : i32
          %rev3A_346 = vector.broadcast %rev3A_345 : i32 to vector<16xi32>
          %rev3A_347 = tpu.iota {dimensions = array<i32: 0>} : vector<16xi32>
          %rev3A_348 = arith.subi %rev3A_346, %rev3A_347 : vector<16xi32>
          %rev3A_349 = tpu.dynamic_gather %sort3A_316[%rev3A_348] in [0] : vector<16xi32>, vector<16xi32> -> vector<16xi32>
          %gt3A_350 = arith.cmpf ogt, %scan3A_238, %rev3A_334 : vector<16xf32>
          %eq3A_351 = arith.cmpf oeq, %scan3A_238, %rev3A_334 : vector<16xf32>
          %lt3A_352 = arith.cmpi slt, %scan3A_239, %rev3A_339 : vector<16xi32>
          %and3A_353 = arith.andi %eq3A_351, %lt3A_352 : vector<16xi1>
          %or3A_354 = arith.ori %gt3A_350, %and3A_353 : vector<16xi1>
          %select_n3A_355 = arith.select %or3A_354, %scan3A_238, %rev3A_334 : vector<16xi1>, vector<16xf32>
          %select_n3A_356 = arith.select %or3A_354, %scan3A_239, %rev3A_339 : vector<16xi1>, vector<16xi32>
          %gt3A_357 = arith.cmpf ogt, %scan3A_240, %rev3A_344 : vector<16xf32>
          %eq3A_358 = arith.cmpf oeq, %scan3A_240, %rev3A_344 : vector<16xf32>
          %lt3A_359 = arith.cmpi slt, %scan3A_241, %rev3A_349 : vector<16xi32>
          %and3A_360 = arith.andi %eq3A_358, %lt3A_359 : vector<16xi1>
          %or3A_361 = arith.ori %gt3A_357, %and3A_360 : vector<16xi1>
          %select_n3A_362 = arith.select %or3A_361, %scan3A_240, %rev3A_344 : vector<16xi1>, vector<16xf32>
          %select_n3A_363 = arith.select %or3A_361, %scan3A_241, %rev3A_349 : vector<16xi1>, vector<16xi32>
          %gt3A_364 = arith.cmpf ogt, %select_n3A_355, %select_n3A_362 : vector<16xf32>
          %eq3A_365 = arith.cmpf oeq, %select_n3A_355, %select_n3A_362 : vector<16xf32>
          %lt3A_366 = arith.cmpi slt, %select_n3A_356, %select_n3A_363 : vector<16xi32>
          %and3A_367 = arith.andi %eq3A_365, %lt3A_366 : vector<16xi1>
          %or3A_368 = arith.ori %gt3A_364, %and3A_367 : vector<16xi1>
          %select_n3A_369 = arith.select %or3A_368, %select_n3A_355, %select_n3A_362 : vector<16xi1>, vector<16xf32>
          %select_n3A_370 = arith.select %or3A_368, %select_n3A_356, %select_n3A_363 : vector<16xi1>, vector<16xi32>
          %select_n3A_371 = arith.select %or3A_368, %select_n3A_362, %select_n3A_355 : vector<16xi1>, vector<16xf32>
          %select_n3A_372 = arith.select %or3A_368, %select_n3A_363, %select_n3A_356 : vector<16xi1>, vector<16xi32>
          %neg3A_373 = arith.constant 0.000000e+00 : f32
          %neg3A_374 = vector.broadcast %neg3A_373 : f32 to vector<16xf32>
          %neg3A_375 = arith.subf %neg3A_374, %select_n3A_369 : vector<16xf32>
          %sort3A_376 = arith.constant dense<true> : vector<16xi1>
          %sort3A_377, %sort3A_378, %sort3A_379 = tpu.sort %neg3A_375, %select_n3A_370 masked %sort3A_376 : (vector<16xf32>, vector<16xi32>, vector<16xi1>) -> (vector<16xi1>, vector<16xf32>, vector<16xi32>)
          %neg3A_380 = arith.constant 0.000000e+00 : f32
          %neg3A_381 = vector.broadcast %neg3A_380 : f32 to vector<16xf32>
          %neg3A_382 = arith.subf %neg3A_381, %sort3A_378 : vector<16xf32>
          %neg3A_383 = arith.constant 0.000000e+00 : f32
          %neg3A_384 = vector.broadcast %neg3A_383 : f32 to vector<16xf32>
          %neg3A_385 = arith.subf %neg3A_384, %select_n3A_371 : vector<16xf32>
          %sort3A_386 = arith.constant dense<true> : vector<16xi1>
          %sort3A_387, %sort3A_388, %sort3A_389 = tpu.sort %neg3A_385, %select_n3A_372 masked %sort3A_386 : (vector<16xf32>, vector<16xi32>, vector<16xi1>) -> (vector<16xi1>, vector<16xf32>, vector<16xi32>)
          %neg3A_390 = arith.constant 0.000000e+00 : f32
          %neg3A_391 = vector.broadcast %neg3A_390 : f32 to vector<16xf32>
          %neg3A_392 = arith.subf %neg3A_391, %sort3A_388 : vector<16xf32>
          %mul3A_393 = arith.constant 2 : i32
          %mul3A_394 = arith.muli %mul3A_393, %scan3A_237 : i32
          %add3A_395 = arith.constant 1 : i32
          %add3A_396 = arith.addi %mul3A_394, %add3A_395 : i32
          %mul3A_397 = arith.constant 32 : i32
          %mul3A_398 = arith.muli %mul3A_397, %add3A_396 : i32
          %get3A_399 = arith.index_cast %scan3A_22 : i32 to index
          %get3A_400 = arith.index_cast %mul3A_398 : i32 to index
          %get3A_401 = tpu.vector_load %arg4[%get3A_399, %get3A_400] {strides = array<i32>} : memref<16x2048xf32, #tpu.memory_space<vmem>>, vector<16xf32>,
          %mul3A_402 = arith.constant 32 : i32
          %mul3A_403 = arith.muli %mul3A_402, %add3A_396 : i32
          %add3A_404 = arith.constant 16 : i32
          %add3A_405 = arith.addi %mul3A_403, %add3A_404 : i32
          %get3A_406 = arith.index_cast %scan3A_22 : i32 to index
          %get3A_407 = arith.index_cast %add3A_405 : i32 to index
          %get3A_408 = tpu.vector_load %arg4[%get3A_406, %get3A_407] {strides = array<i32>} : memref<16x2048xf32, #tpu.memory_space<vmem>>, vector<16xf32>,
          %mul3A_409 = arith.constant 32 : i32
          %mul3A_410 = arith.muli %mul3A_409, %add3A_396 : i32
          %add3A_411 = vector.broadcast %mul3A_410 : i32 to vector<16xi32>
          %add3A_412 = arith.addi %iota3A, %add3A_411 : vector<16xi32>
          %mul3A_413 = arith.constant 32 : i32
          %mul3A_414 = arith.muli %mul3A_413, %add3A_396 : i32
          %add3A_415 = vector.broadcast %mul3A_414 : i32 to vector<16xi32>
          %add3A_416 = arith.addi %iota3A, %add3A_415 : vector<16xi32>
          %add3A_417 = arith.constant 16 : i32
          %add3A_418 = vector.broadcast %add3A_417 : i32 to vector<16xi32>
          %add3A_419 = arith.addi %add3A_416, %add3A_418 : vector<16xi32>
          %neg3A_420 = arith.constant 0.000000e+00 : f32
          %neg3A_421 = vector.broadcast %neg3A_420 : f32 to vector<16xf32>
          %neg3A_422 = arith.subf %neg3A_421, %get3A_401 : vector<16xf32>
          %sort3A_423 = arith.constant dense<true> : vector<16xi1>
          %sort3A_424, %sort3A_425, %sort3A_426 = tpu.sort %neg3A_422, %add3A_412 masked %sort3A_423 : (vector<16xf32>, vector<16xi32>, vector<16xi1>) -> (vector<16xi1>, vector<16xf32>, vector<16xi32>)
          %neg3A_427 = arith.constant 0.000000e+00 : f32
          %neg3A_428 = vector.broadcast %neg3A_427 : f32 to vector<16xf32>
          %neg3A_429 = arith.subf %neg3A_428, %sort3A_425 : vector<16xf32>
          %neg3A_430 = arith.constant 0.000000e+00 : f32
          %neg3A_431 = vector.broadcast %neg3A_430 : f32 to vector<16xf32>
          %neg3A_432 = arith.subf %neg3A_431, %get3A_408 : vector<16xf32>
          %sort3A_433 = arith.constant dense<true> : vector<16xi1>
          %sort3A_434, %sort3A_435, %sort3A_436 = tpu.sort %neg3A_432, %add3A_419 masked %sort3A_433 : (vector<16xf32>, vector<16xi32>, vector<16xi1>) -> (vector<16xi1>, vector<16xf32>, vector<16xi32>)
          %neg3A_437 = arith.constant 0.000000e+00 : f32
          %neg3A_438 = vector.broadcast %neg3A_437 : f32 to vector<16xf32>
          %neg3A_439 = arith.subf %neg3A_438, %sort3A_435 : vector<16xf32>
          %rev3A_440 = arith.constant 15 : i32
          %rev3A_441 = vector.broadcast %rev3A_440 : i32 to vector<16xi32>
          %rev3A_442 = tpu.iota {dimensions = array<i32: 0>} : vector<16xi32>
          %rev3A_443 = arith.subi %rev3A_441, %rev3A_442 : vector<16xi32>
          %rev3A_444 = tpu.dynamic_gather %neg3A_439[%rev3A_443] in [0] : vector<16xf32>, vector<16xi32> -> vector<16xf32>
          %rev3A_445 = arith.constant 15 : i32
          %rev3A_446 = vector.broadcast %rev3A_445 : i32 to vector<16xi32>
          %rev3A_447 = tpu.iota {dimensions = array<i32: 0>} : vector<16xi32>
          %rev3A_448 = arith.subi %rev3A_446, %rev3A_447 : vector<16xi32>
          %rev3A_449 = tpu.dynamic_gather %sort3A_436[%rev3A_448] in [0] : vector<16xi32>, vector<16xi32> -> vector<16xi32>
          %gt3A_450 = arith.cmpf ogt, %neg3A_429, %rev3A_444 : vector<16xf32>
          %eq3A_451 = arith.cmpf oeq, %neg3A_429, %rev3A_444 : vector<16xf32>
          %lt3A_452 = arith.cmpi slt, %sort3A_426, %rev3A_449 : vector<16xi32>
          %and3A_453 = arith.andi %eq3A_451, %lt3A_452 : vector<16xi1>
          %or3A_454 = arith.ori %gt3A_450, %and3A_453 : vector<16xi1>
          %select_n3A_455 = arith.select %or3A_454, %neg3A_429, %rev3A_444 : vector<16xi1>, vector<16xf32>
          %select_n3A_456 = arith.select %or3A_454, %sort3A_426, %rev3A_449 : vector<16xi1>, vector<16xi32>
          %select_n3A_457 = arith.select %or3A_454, %rev3A_444, %neg3A_429 : vector<16xi1>, vector<16xf32>
          %select_n3A_458 = arith.select %or3A_454, %rev3A_449, %sort3A_426 : vector<16xi1>, vector<16xi32>
          %neg3A_459 = arith.constant 0.000000e+00 : f32
          %neg3A_460 = vector.broadcast %neg3A_459 : f32 to vector<16xf32>
          %neg3A_461 = arith.subf %neg3A_460, %select_n3A_455 : vector<16xf32>
          %sort3A_462 = arith.constant dense<true> : vector<16xi1>
          %sort3A_463, %sort3A_464, %sort3A_465 = tpu.sort %neg3A_461, %select_n3A_456 masked %sort3A_462 : (vector<16xf32>, vector<16xi32>, vector<16xi1>) -> (vector<16xi1>, vector<16xf32>, vector<16xi32>)
          %neg3A_466 = arith.constant 0.000000e+00 : f32
          %neg3A_467 = vector.broadcast %neg3A_466 : f32 to vector<16xf32>
          %neg3A_468 = arith.subf %neg3A_467, %sort3A_464 : vector<16xf32>
          %neg3A_469 = arith.constant 0.000000e+00 : f32
          %neg3A_470 = vector.broadcast %neg3A_469 : f32 to vector<16xf32>
          %neg3A_471 = arith.subf %neg3A_470, %select_n3A_457 : vector<16xf32>
          %sort3A_472 = arith.constant dense<true> : vector<16xi1>
          %sort3A_473, %sort3A_474, %sort3A_475 = tpu.sort %neg3A_471, %select_n3A_458 masked %sort3A_472 : (vector<16xf32>, vector<16xi32>, vector<16xi1>) -> (vector<16xi1>, vector<16xf32>, vector<16xi32>)
          %neg3A_476 = arith.constant 0.000000e+00 : f32
          %neg3A_477 = vector.broadcast %neg3A_476 : f32 to vector<16xf32>
          %neg3A_478 = arith.subf %neg3A_477, %sort3A_474 : vector<16xf32>
          %rev3A_479 = arith.constant 15 : i32
          %rev3A_480 = vector.broadcast %rev3A_479 : i32 to vector<16xi32>
          %rev3A_481 = tpu.iota {dimensions = array<i32: 0>} : vector<16xi32>
          %rev3A_482 = arith.subi %rev3A_480, %rev3A_481 : vector<16xi32>
          %rev3A_483 = tpu.dynamic_gather %neg3A_478[%rev3A_482] in [0] : vector<16xf32>, vector<16xi32> -> vector<16xf32>
          %rev3A_484 = arith.constant 15 : i32
          %rev3A_485 = vector.broadcast %rev3A_484 : i32 to vector<16xi32>
          %rev3A_486 = tpu.iota {dimensions = array<i32: 0>} : vector<16xi32>
          %rev3A_487 = arith.subi %rev3A_485, %rev3A_486 : vector<16xi32>
          %rev3A_488 = tpu.dynamic_gather %sort3A_475[%rev3A_487] in [0] : vector<16xi32>, vector<16xi32> -> vector<16xi32>
          %rev3A_489 = arith.constant 15 : i32
          %rev3A_490 = vector.broadcast %rev3A_489 : i32 to vector<16xi32>
          %rev3A_491 = tpu.iota {dimensions = array<i32: 0>} : vector<16xi32>
          %rev3A_492 = arith.subi %rev3A_490, %rev3A_491 : vector<16xi32>
          %rev3A_493 = tpu.dynamic_gather %neg3A_468[%rev3A_492] in [0] : vector<16xf32>, vector<16xi32> -> vector<16xf32>
          %rev3A_494 = arith.constant 15 : i32
          %rev3A_495 = vector.broadcast %rev3A_494 : i32 to vector<16xi32>
          %rev3A_496 = tpu.iota {dimensions = array<i32: 0>} : vector<16xi32>
          %rev3A_497 = arith.subi %rev3A_495, %rev3A_496 : vector<16xi32>
          %rev3A_498 = tpu.dynamic_gather %sort3A_465[%rev3A_497] in [0] : vector<16xi32>, vector<16xi32> -> vector<16xi32>
          %gt3A_499 = arith.cmpf ogt, %scan3A_242, %rev3A_483 : vector<16xf32>
          %eq3A_500 = arith.cmpf oeq, %scan3A_242, %rev3A_483 : vector<16xf32>
          %lt3A_501 = arith.cmpi slt, %scan3A_243, %rev3A_488 : vector<16xi32>
          %and3A_502 = arith.andi %eq3A_500, %lt3A_501 : vector<16xi1>
          %or3A_503 = arith.ori %gt3A_499, %and3A_502 : vector<16xi1>
          %select_n3A_504 = arith.select %or3A_503, %scan3A_242, %rev3A_483 : vector<16xi1>, vector<16xf32>
          %select_n3A_505 = arith.select %or3A_503, %scan3A_243, %rev3A_488 : vector<16xi1>, vector<16xi32>
          %gt3A_506 = arith.cmpf ogt, %scan3A_244, %rev3A_493 : vector<16xf32>
          %eq3A_507 = arith.cmpf oeq, %scan3A_244, %rev3A_493 : vector<16xf32>
          %lt3A_508 = arith.cmpi slt, %scan3A_245, %rev3A_498 : vector<16xi32>
          %and3A_509 = arith.andi %eq3A_507, %lt3A_508 : vector<16xi1>
          %or3A_510 = arith.ori %gt3A_506, %and3A_509 : vector<16xi1>
          %select_n3A_511 = arith.select %or3A_510, %scan3A_244, %rev3A_493 : vector<16xi1>, vector<16xf32>
          %select_n3A_512 = arith.select %or3A_510, %scan3A_245, %rev3A_498 : vector<16xi1>, vector<16xi32>
          %gt3A_513 = arith.cmpf ogt, %select_n3A_504, %select_n3A_511 : vector<16xf32>
          %eq3A_514 = arith.cmpf oeq, %select_n3A_504, %select_n3A_511 : vector<16xf32>
          %lt3A_515 = arith.cmpi slt, %select_n3A_505, %select_n3A_512 : vector<16xi32>
          %and3A_516 = arith.andi %eq3A_514, %lt3A_515 : vector<16xi1>
          %or3A_517 = arith.ori %gt3A_513, %and3A_516 : vector<16xi1>
          %select_n3A_518 = arith.select %or3A_517, %select_n3A_504, %select_n3A_511 : vector<16xi1>, vector<16xf32>
          %select_n3A_519 = arith.select %or3A_517, %select_n3A_505, %select_n3A_512 : vector<16xi1>, vector<16xi32>
          %select_n3A_520 = arith.select %or3A_517, %select_n3A_511, %select_n3A_504 : vector<16xi1>, vector<16xf32>
          %select_n3A_521 = arith.select %or3A_517, %select_n3A_512, %select_n3A_505 : vector<16xi1>, vector<16xi32>
          %neg3A_522 = arith.constant 0.000000e+00 : f32
          %neg3A_523 = vector.broadcast %neg3A_522 : f32 to vector<16xf32>
          %neg3A_524 = arith.subf %neg3A_523, %select_n3A_518 : vector<16xf32>
          %sort3A_525 = arith.constant dense<true> : vector<16xi1>
          %sort3A_526, %sort3A_527, %sort3A_528 = tpu.sort %neg3A_524, %select_n3A_519 masked %sort3A_525 : (vector<16xf32>, vector<16xi32>, vector<16xi1>) -> (vector<16xi1>, vector<16xf32>, vector<16xi32>)
          %neg3A_529 = arith.constant 0.000000e+00 : f32
          %neg3A_530 = vector.broadcast %neg3A_529 : f32 to vector<16xf32>
          %neg3A_531 = arith.subf %neg3A_530, %sort3A_527 : vector<16xf32>
          %neg3A_532 = arith.constant 0.000000e+00 : f32
          %neg3A_533 = vector.broadcast %neg3A_532 : f32 to vector<16xf32>
          %neg3A_534 = arith.subf %neg3A_533, %select_n3A_520 : vector<16xf32>
          %sort3A_535 = arith.constant dense<true> : vector<16xi1>
          %sort3A_536, %sort3A_537, %sort3A_538 = tpu.sort %neg3A_534, %select_n3A_521 masked %sort3A_535 : (vector<16xf32>, vector<16xi32>, vector<16xi1>) -> (vector<16xi1>, vector<16xf32>, vector<16xi32>)
          %neg3A_539 = arith.constant 0.000000e+00 : f32
          %neg3A_540 = vector.broadcast %neg3A_539 : f32 to vector<16xf32>
          %neg3A_541 = arith.subf %neg3A_540, %sort3A_537 : vector<16xf32>
          scf.yield %neg3A_382, %sort3A_379, %neg3A_392, %sort3A_389, %neg3A_531, %sort3A_528, %neg3A_541, %sort3A_538 : vector<16xf32>, vector<16xi32>, vector<16xf32>, vector<16xi32>, vector<16xf32>, vector<16xi32>, vector<16xf32>, vector<16xi32>
        }
        %scan3A_167 = arith.constant 31 : i32
        %rev3A_168 = arith.constant 15 : i32
        %rev3A_169 = vector.broadcast %rev3A_168 : i32 to vector<16xi32>
        %rev3A_170 = tpu.iota {dimensions = array<i32: 0>} : vector<16xi32>
        %rev3A_171 = arith.subi %rev3A_169, %rev3A_170 : vector<16xi32>
        %rev3A_172 = tpu.dynamic_gather %scan3A_166#6[%rev3A_171] in [0] : vector<16xf32>, vector<16xi32> -> vector<16xf32>
        %rev3A_173 = arith.constant 15 : i32
        %rev3A_174 = vector.broadcast %rev3A_173 : i32 to vector<16xi32>
        %rev3A_175 = tpu.iota {dimensions = array<i32: 0>} : vector<16xi32>
        %rev3A_176 = arith.subi %rev3A_174, %rev3A_175 : vector<16xi32>
        %rev3A_177 = tpu.dynamic_gather %scan3A_166#7[%rev3A_176] in [0] : vector<16xi32>, vector<16xi32> -> vector<16xi32>
        %rev3A_178 = arith.constant 15 : i32
        %rev3A_179 = vector.broadcast %rev3A_178 : i32 to vector<16xi32>
        %rev3A_180 = tpu.iota {dimensions = array<i32: 0>} : vector<16xi32>
        %rev3A_181 = arith.subi %rev3A_179, %rev3A_180 : vector<16xi32>
        %rev3A_182 = tpu.dynamic_gather %scan3A_166#4[%rev3A_181] in [0] : vector<16xf32>, vector<16xi32> -> vector<16xf32>
        %rev3A_183 = arith.constant 15 : i32
        %rev3A_184 = vector.broadcast %rev3A_183 : i32 to vector<16xi32>
        %rev3A_185 = tpu.iota {dimensions = array<i32: 0>} : vector<16xi32>
        %rev3A_186 = arith.subi %rev3A_184, %rev3A_185 : vector<16xi32>
        %rev3A_187 = tpu.dynamic_gather %scan3A_166#5[%rev3A_186] in [0] : vector<16xi32>, vector<16xi32> -> vector<16xi32>
        %gt3A_188 = arith.cmpf ogt, %scan3A_166#0, %rev3A_172 : vector<16xf32>
        %eq3A_189 = arith.cmpf oeq, %scan3A_166#0, %rev3A_172 : vector<16xf32>
        %lt3A_190 = arith.cmpi slt, %scan3A_166#1, %rev3A_177 : vector<16xi32>
        %and3A_191 = arith.andi %eq3A_189, %lt3A_190 : vector<16xi1>
        %or3A_192 = arith.ori %gt3A_188, %and3A_191 : vector<16xi1>
        %select_n3A_193 = arith.select %or3A_192, %scan3A_166#0, %rev3A_172 : vector<16xi1>, vector<16xf32>
        %select_n3A_194 = arith.select %or3A_192, %scan3A_166#1, %rev3A_177 : vector<16xi1>, vector<16xi32>
        %gt3A_195 = arith.cmpf ogt, %scan3A_166#2, %rev3A_182 : vector<16xf32>
        %eq3A_196 = arith.cmpf oeq, %scan3A_166#2, %rev3A_182 : vector<16xf32>
        %lt3A_197 = arith.cmpi slt, %scan3A_166#3, %rev3A_187 : vector<16xi32>
        %and3A_198 = arith.andi %eq3A_196, %lt3A_197 : vector<16xi1>
        %or3A_199 = arith.ori %gt3A_195, %and3A_198 : vector<16xi1>
        %select_n3A_200 = arith.select %or3A_199, %scan3A_166#2, %rev3A_182 : vector<16xi1>, vector<16xf32>
        %select_n3A_201 = arith.select %or3A_199, %scan3A_166#3, %rev3A_187 : vector<16xi1>, vector<16xi32>
        %gt3A_202 = arith.cmpf ogt, %select_n3A_193, %select_n3A_200 : vector<16xf32>
        %eq3A_203 = arith.cmpf oeq, %select_n3A_193, %select_n3A_200 : vector<16xf32>
        %lt3A_204 = arith.cmpi slt, %select_n3A_194, %select_n3A_201 : vector<16xi32>
        %and3A_205 = arith.andi %eq3A_203, %lt3A_204 : vector<16xi1>
        %or3A_206 = arith.ori %gt3A_202, %and3A_205 : vector<16xi1>
        %select_n3A_207 = arith.select %or3A_206, %select_n3A_193, %select_n3A_200 : vector<16xi1>, vector<16xf32>
        %select_n3A_208 = arith.select %or3A_206, %select_n3A_194, %select_n3A_201 : vector<16xi1>, vector<16xi32>
        %select_n3A_209 = arith.select %or3A_206, %select_n3A_200, %select_n3A_193 : vector<16xi1>, vector<16xf32>
        %select_n3A_210 = arith.select %or3A_206, %select_n3A_201, %select_n3A_194 : vector<16xi1>, vector<16xi32>
        %neg3A_211 = arith.constant 0.000000e+00 : f32
        %neg3A_212 = vector.broadcast %neg3A_211 : f32 to vector<16xf32>
        %neg3A_213 = arith.subf %neg3A_212, %select_n3A_207 : vector<16xf32>
        %sort3A_214 = arith.constant dense<true> : vector<16xi1>
        %sort3A_215, %sort3A_216, %sort3A_217 = tpu.sort %neg3A_213, %select_n3A_208 masked %sort3A_214 : (vector<16xf32>, vector<16xi32>, vector<16xi1>) -> (vector<16xi1>, vector<16xf32>, vector<16xi32>)
        %neg3A_218 = arith.constant 0.000000e+00 : f32
        %neg3A_219 = vector.broadcast %neg3A_218 : f32 to vector<16xf32>
        %neg3A_220 = arith.subf %neg3A_219, %sort3A_216 : vector<16xf32>
        %neg3A_221 = arith.constant 0.000000e+00 : f32
        %neg3A_222 = vector.broadcast %neg3A_221 : f32 to vector<16xf32>
        %neg3A_223 = arith.subf %neg3A_222, %select_n3A_209 : vector<16xf32>
        %sort3A_224 = arith.constant dense<true> : vector<16xi1>
        %sort3A_225, %sort3A_226, %sort3A_227 = tpu.sort %neg3A_223, %select_n3A_210 masked %sort3A_224 : (vector<16xf32>, vector<16xi32>, vector<16xi1>) -> (vector<16xi1>, vector<16xf32>, vector<16xi32>)
        %neg3A_228 = arith.constant 0.000000e+00 : f32
        %neg3A_229 = vector.broadcast %neg3A_228 : f32 to vector<16xf32>
        %neg3A_230 = arith.subf %neg3A_229, %sort3A_226 : vector<16xf32>
        %swap3A = arith.index_cast %scan3A_22 : i32 to index
        %swap3A_231 = arith.constant 0 : index
        %swap3A_232 = tpu.vector_load %arg5[%swap3A, %swap3A_231] {strides = array<i32>} : memref<16x32xi32, #tpu.memory_space<vmem>>, vector<16xi32>,
        tpu.vector_store %arg5[%swap3A, %swap3A_231], %sort3A_217 {strides = array<i32>} : memref<16x32xi32, #tpu.memory_space<vmem>>, vector<16xi32>,
        %swap3A_233 = arith.index_cast %scan3A_22 : i32 to index
        %swap3A_234 = arith.constant 16 : index
        %swap3A_235 = tpu.vector_load %arg5[%swap3A_233, %swap3A_234] {strides = array<i32>} : memref<16x32xi32, #tpu.memory_space<vmem>>, vector<16xi32>,
        tpu.vector_store %arg5[%swap3A_233, %swap3A_234], %sort3A_227 {strides = array<i32>} : memref<16x32xi32, #tpu.memory_space<vmem>>, vector<16xi32>,
        %scan3A_236 = arith.constant 0 : i32
        scf.yield %scan3A_236 : i32
      }
      %scan3A_20 = arith.constant 16 : i32
      "tpu.region"() ({
        %run_scoped3A = tpu.sem_alloc : memref<!tpu.dma_semaphore, #tpu.memory_space<semaphore_mem>>
        %dma_start3A = arith.constant 0 : i32
        %dma_start3A_22 = tpu.memref_slice %arg3[%add3A_13, %dma_start3A] : memref<2048x32xi32, #tpu.memory_space<hbm>> -> memref<16x32xi32, #tpu.memory_space<hbm>>
        %dma_start3A_23 = arith.constant 0 : i32
        %dma_start3A_24 = tpu.memref_slice %arg3[%add3A_13, %dma_start3A_23] : memref<2048x32xi32, #tpu.memory_space<hbm>> -> memref<16x32xi32, #tpu.memory_space<hbm>>
        tpu.enqueue_dma source(%arg5 : memref<16x32xi32, #tpu.memory_space<vmem>>) target(%dma_start3A_24 : memref<16x32xi32, #tpu.memory_space<hbm>>) target_semaphore(%run_scoped3A : memref<!tpu.dma_semaphore, #tpu.memory_space<semaphore_mem>>)
        %dma_wait3A = arith.constant 0 : i32
        %dma_wait3A_25 = tpu.memref_slice %arg3[%add3A_13, %dma_wait3A] : memref<2048x32xi32, #tpu.memory_space<hbm>> -> memref<16x32xi32, #tpu.memory_space<hbm>>
        %dma_wait3A_26 = arith.constant 0 : i32
        %dma_wait3A_27 = tpu.memref_slice %arg3[%add3A_13, %dma_wait3A_26] : memref<2048x32xi32, #tpu.memory_space<hbm>> -> memref<16x32xi32, #tpu.memory_space<hbm>>
        tpu.wait_dma2 semaphore(%run_scoped3A : memref<!tpu.dma_semaphore, #tpu.memory_space<semaphore_mem>>) src(%arg5 : memref<16x32xi32, #tpu.memory_space<vmem>>) dst(%dma_wait3A_27 : memref<16x32xi32, #tpu.memory_space<hbm>>)
        tpu.yield
      }) : () -> ()
      %scan3A_21 = arith.constant 0 : i32
      scf.yield %scan3A_21 : i32
    }
    %scan3A_8 = arith.constant 4 : i32
    return
  }
}

module attributes {stable_mosaic.version = 14 : i64} {
  func.func @_scores_body(%arg0: i32, %arg1: memref<1x16x64xf32, #tpu.memory_space<vmem>>, %arg2: memref<1x2048x64xf32, #tpu.memory_space<vmem>>, %arg3: memref<16x2048xf32, #tpu.memory_space<vmem>>) attributes {dimension_semantics = [#tpu.dimension_semantics<arbitrary>], iteration_bounds = array<i64: 128>, scalar_prefetch = 0 : i64, scratch_operands = 0 : i64, tpu.core_type = #tpu.core_type<tc>, window_params = [{transform_indices = @transform_0, window_bounds = array<i64: 1, 16, 64>}, {transform_indices = @transform_1, window_bounds = array<i64: 1, 2048, 64>}, {transform_indices = @transform_2, window_bounds = array<i64: 16, 2048>}]} {
    %get3A = arith.constant 0 : index
    %get3A_0 = arith.constant 0 : index
    %get3A_1 = arith.constant 0 : index
    %get3A_2 = vector.load %arg1[%get3A, %get3A_0, %get3A_1] : memref<1x16x64xf32, #tpu.memory_space<vmem>>, vector<1x16x64xf32>
    %get3A_3 = vector.shape_cast %get3A_2 : vector<1x16x64xf32> to vector<16x64xf32>
    %get3A_4 = arith.constant 0 : index
    %get3A_5 = arith.constant 0 : index
    %get3A_6 = arith.constant 0 : index
    %get3A_7 = vector.load %arg2[%get3A_4, %get3A_5, %get3A_6] : memref<1x2048x64xf32, #tpu.memory_space<vmem>>, vector<1x2048x64xf32>
    %get3A_8 = vector.shape_cast %get3A_7 : vector<1x2048x64xf32> to vector<2048x64xf32>
    %transpose3A = tpu.transpose %get3A_8, [1, 0] : vector<2048x64xf32> -> vector<64x2048xf32>
    %mul3A = arith.mulf %transpose3A, %transpose3A : vector<64x2048xf32>
    %slice3A = vector.extract_strided_slice %mul3A {offsets = [0, 0], sizes = [8, 2048], strides = [1, 1]} : vector<64x2048xf32> to vector<8x2048xf32>
    %slice3A_9 = vector.extract_strided_slice %mul3A {offsets = [8, 0], sizes = [8, 2048], strides = [1, 1]} : vector<64x2048xf32> to vector<8x2048xf32>
    %add3A = arith.addf %slice3A, %slice3A_9 : vector<8x2048xf32>
    %slice3A_10 = vector.extract_strided_slice %mul3A {offsets = [16, 0], sizes = [8, 2048], strides = [1, 1]} : vector<64x2048xf32> to vector<8x2048xf32>
    %add3A_11 = arith.addf %add3A, %slice3A_10 : vector<8x2048xf32>
    %slice3A_12 = vector.extract_strided_slice %mul3A {offsets = [24, 0], sizes = [8, 2048], strides = [1, 1]} : vector<64x2048xf32> to vector<8x2048xf32>
    %add3A_13 = arith.addf %add3A_11, %slice3A_12 : vector<8x2048xf32>
    %slice3A_14 = vector.extract_strided_slice %mul3A {offsets = [32, 0], sizes = [8, 2048], strides = [1, 1]} : vector<64x2048xf32> to vector<8x2048xf32>
    %add3A_15 = arith.addf %add3A_13, %slice3A_14 : vector<8x2048xf32>
    %slice3A_16 = vector.extract_strided_slice %mul3A {offsets = [40, 0], sizes = [8, 2048], strides = [1, 1]} : vector<64x2048xf32> to vector<8x2048xf32>
    %add3A_17 = arith.addf %add3A_15, %slice3A_16 : vector<8x2048xf32>
    %slice3A_18 = vector.extract_strided_slice %mul3A {offsets = [48, 0], sizes = [8, 2048], strides = [1, 1]} : vector<64x2048xf32> to vector<8x2048xf32>
    %add3A_19 = arith.addf %add3A_17, %slice3A_18 : vector<8x2048xf32>
    %slice3A_20 = vector.extract_strided_slice %mul3A {offsets = [56, 0], sizes = [8, 2048], strides = [1, 1]} : vector<64x2048xf32> to vector<8x2048xf32>
    %add3A_21 = arith.addf %add3A_19, %slice3A_20 : vector<8x2048xf32>
    %slice3A_22 = vector.extract_strided_slice %add3A_21 {offsets = [0, 0], sizes = [4, 2048], strides = [1, 1]} : vector<8x2048xf32> to vector<4x2048xf32>
    %slice3A_23 = vector.extract_strided_slice %add3A_21 {offsets = [4, 0], sizes = [4, 2048], strides = [1, 1]} : vector<8x2048xf32> to vector<4x2048xf32>
    %add3A_24 = arith.addf %slice3A_22, %slice3A_23 : vector<4x2048xf32>
    %slice3A_25 = vector.extract_strided_slice %add3A_24 {offsets = [0, 0], sizes = [2, 2048], strides = [1, 1]} : vector<4x2048xf32> to vector<2x2048xf32>
    %slice3A_26 = vector.extract_strided_slice %add3A_24 {offsets = [2, 0], sizes = [2, 2048], strides = [1, 1]} : vector<4x2048xf32> to vector<2x2048xf32>
    %add3A_27 = arith.addf %slice3A_25, %slice3A_26 : vector<2x2048xf32>
    %slice3A_28 = vector.extract_strided_slice %add3A_27 {offsets = [0, 0], sizes = [1, 2048], strides = [1, 1]} : vector<2x2048xf32> to vector<1x2048xf32>
    %slice3A_29 = vector.extract_strided_slice %add3A_27 {offsets = [1, 0], sizes = [1, 2048], strides = [1, 1]} : vector<2x2048xf32> to vector<1x2048xf32>
    %add3A_30 = arith.addf %slice3A_28, %slice3A_29 : vector<1x2048xf32>
    %sqrt3A = math.sqrt %add3A_30 : vector<1x2048xf32>
    %reduce_max3A = vector.shape_cast %sqrt3A : vector<1x2048xf32> to vector<1x1x2048xf32>
    %reduce_max3A_31 = arith.constant dense<0xFF800000> : vector<1xf32>
    %reduce_max3A_32 = vector.multi_reduction <maximumf>, %reduce_max3A, %reduce_max3A_31 [1, 2] : vector<1x1x2048xf32> to vector<1xf32>
    %reduce_max3A_33 = vector.shape_cast %reduce_max3A_32 : vector<1xf32> to vector<1x1x1xf32>
    %reduce_max3A_34 = vector.extract %reduce_max3A_33[0, 0, 0] : f32 from vector<1x1x1xf32>
    %mul3A_35 = arith.mulf %reduce_max3A_34, %reduce_max3A_34 : f32
    %mul3A_36 = arith.mulf %sqrt3A, %sqrt3A : vector<1x2048xf32>
    %sub3A = vector.broadcast %mul3A_35 : f32 to vector<1x2048xf32>
    %sub3A_37 = arith.subf %sub3A, %mul3A_36 : vector<1x2048xf32>
    %max3A = arith.constant 0.000000e+00 : f32
    %max3A_38 = vector.broadcast %max3A : f32 to vector<1x2048xf32>
    %max3A_39 = arith.maximumf %sub3A_37, %max3A_38 : vector<1x2048xf32>
    %sqrt3A_40 = math.sqrt %max3A_39 : vector<1x2048xf32>
    %mul3A_41 = arith.mulf %sqrt3A_40, %sqrt3A_40 : vector<1x2048xf32>
    %slice3A_42 = vector.extract_strided_slice %add3A_21 {offsets = [0, 0], sizes = [1, 2048], strides = [1, 1]} : vector<8x2048xf32> to vector<1x2048xf32>
    %add3A_43 = arith.addf %slice3A_42, %mul3A_41 : vector<1x2048xf32>
    %slice3A_44 = vector.extract_strided_slice %add3A_21 {offsets = [4, 0], sizes = [1, 2048], strides = [1, 1]} : vector<8x2048xf32> to vector<1x2048xf32>
    %add3A_45 = arith.addf %add3A_43, %slice3A_44 : vector<1x2048xf32>
    %slice3A_46 = vector.extract_strided_slice %add3A_24 {offsets = [2, 0], sizes = [1, 2048], strides = [1, 1]} : vector<4x2048xf32> to vector<1x2048xf32>
    %add3A_47 = arith.addf %add3A_45, %slice3A_46 : vector<1x2048xf32>
    %slice3A_48 = vector.extract_strided_slice %add3A_27 {offsets = [1, 0], sizes = [1, 2048], strides = [1, 1]} : vector<2x2048xf32> to vector<1x2048xf32>
    %add3A_49 = arith.addf %add3A_47, %slice3A_48 : vector<1x2048xf32>
    %mul3A_50 = arith.mulf %get3A_3, %get3A_3 : vector<16x64xf32>
    %slice3A_51 = vector.extract_strided_slice %mul3A_50 {offsets = [0, 1], sizes = [16, 63], strides = [1, 1]} : vector<16x64xf32> to vector<16x63xf32>
    %slice3A_52 = vector.extract_strided_slice %mul3A_50 {offsets = [0, 0], sizes = [16, 1], strides = [1, 1]} : vector<16x64xf32> to vector<16x1xf32>
    %concatenate3A = tpu.concatenate %slice3A_51, %slice3A_52 in 1 : vector<16x63xf32>, vector<16x1xf32> -> vector<16x64xf32>
    %add3A_53 = arith.addf %mul3A_50, %concatenate3A : vector<16x64xf32>
    %slice3A_54 = vector.extract_strided_slice %add3A_53 {offsets = [0, 2], sizes = [16, 62], strides = [1, 1]} : vector<16x64xf32> to vector<16x62xf32>
    %slice3A_55 = vector.extract_strided_slice %add3A_53 {offsets = [0, 0], sizes = [16, 2], strides = [1, 1]} : vector<16x64xf32> to vector<16x2xf32>
    %concatenate3A_56 = tpu.concatenate %slice3A_54, %slice3A_55 in 1 : vector<16x62xf32>, vector<16x2xf32> -> vector<16x64xf32>
    %add3A_57 = arith.addf %add3A_53, %concatenate3A_56 : vector<16x64xf32>
    %slice3A_58 = vector.extract_strided_slice %add3A_57 {offsets = [0, 4], sizes = [16, 60], strides = [1, 1]} : vector<16x64xf32> to vector<16x60xf32>
    %slice3A_59 = vector.extract_strided_slice %add3A_57 {offsets = [0, 0], sizes = [16, 4], strides = [1, 1]} : vector<16x64xf32> to vector<16x4xf32>
    %concatenate3A_60 = tpu.concatenate %slice3A_58, %slice3A_59 in 1 : vector<16x60xf32>, vector<16x4xf32> -> vector<16x64xf32>
    %add3A_61 = arith.addf %add3A_57, %concatenate3A_60 : vector<16x64xf32>
    %slice3A_62 = vector.extract_strided_slice %add3A_61 {offsets = [0, 16], sizes = [16, 48], strides = [1, 1]} : vector<16x64xf32> to vector<16x48xf32>
    %slice3A_63 = vector.extract_strided_slice %add3A_61 {offsets = [0, 0], sizes = [16, 16], strides = [1, 1]} : vector<16x64xf32> to vector<16x16xf32>
    %concatenate3A_64 = tpu.concatenate %slice3A_62, %slice3A_63 in 1 : vector<16x48xf32>, vector<16x16xf32> -> vector<16x64xf32>
    %add3A_65 = arith.addf %add3A_61, %concatenate3A_64 : vector<16x64xf32>
    %slice3A_66 = vector.extract_strided_slice %add3A_61 {offsets = [0, 32], sizes = [16, 32], strides = [1, 1]} : vector<16x64xf32> to vector<16x32xf32>
    %slice3A_67 = vector.extract_strided_slice %add3A_61 {offsets = [0, 0], sizes = [16, 32], strides = [1, 1]} : vector<16x64xf32> to vector<16x32xf32>
    %concatenate3A_68 = tpu.concatenate %slice3A_66, %slice3A_67 in 1 : vector<16x32xf32>, vector<16x32xf32> -> vector<16x64xf32>
    %add3A_69 = arith.addf %add3A_65, %concatenate3A_68 : vector<16x64xf32>
    %slice3A_70 = vector.extract_strided_slice %add3A_61 {offsets = [0, 48], sizes = [16, 16], strides = [1, 1]} : vector<16x64xf32> to vector<16x16xf32>
    %slice3A_71 = vector.extract_strided_slice %add3A_61 {offsets = [0, 0], sizes = [16, 48], strides = [1, 1]} : vector<16x64xf32> to vector<16x48xf32>
    %concatenate3A_72 = tpu.concatenate %slice3A_70, %slice3A_71 in 1 : vector<16x16xf32>, vector<16x48xf32> -> vector<16x64xf32>
    %add3A_73 = arith.addf %add3A_69, %concatenate3A_72 : vector<16x64xf32>
    %slice3A_74 = vector.extract_strided_slice %add3A_73 {offsets = [0, 8], sizes = [16, 56], strides = [1, 1]} : vector<16x64xf32> to vector<16x56xf32>
    %slice3A_75 = vector.extract_strided_slice %add3A_73 {offsets = [0, 0], sizes = [16, 8], strides = [1, 1]} : vector<16x64xf32> to vector<16x8xf32>
    %concatenate3A_76 = tpu.concatenate %slice3A_74, %slice3A_75 in 1 : vector<16x56xf32>, vector<16x8xf32> -> vector<16x64xf32>
    %add3A_77 = arith.addf %add3A_73, %concatenate3A_76 : vector<16x64xf32>
    %slice3A_78 = vector.extract_strided_slice %add3A_77 {offsets = [0, 0], sizes = [16, 1], strides = [1, 1]} : vector<16x64xf32> to vector<16x1xf32>
    %sqrt3A_79 = math.sqrt %slice3A_78 : vector<16x1xf32>
    %max3A_80 = arith.constant 9.99999997E-7 : f32
    %max3A_81 = vector.broadcast %max3A_80 : f32 to vector<16x1xf32>
    %max3A_82 = arith.maximumf %sqrt3A_79, %max3A_81 : vector<16x1xf32>
    %div3A = vector.broadcast %reduce_max3A_34 : f32 to vector<16x1xf32>
    %div3A_83 = arith.divf %div3A, %max3A_82 : vector<16x1xf32>
    %mul3A_84 = vector.broadcast %div3A_83 : vector<16x1xf32> to vector<16x64xf32>
    %mul3A_85 = arith.mulf %mul3A_84, %get3A_3 : vector<16x64xf32>
    %mul3A_86 = arith.mulf %mul3A_85, %mul3A_85 : vector<16x64xf32>
    %slice3A_87 = vector.extract_strided_slice %mul3A_86 {offsets = [0, 0], sizes = [16, 8], strides = [1, 1]} : vector<16x64xf32> to vector<16x8xf32>
    %slice3A_88 = vector.extract_strided_slice %mul3A_86 {offsets = [0, 8], sizes = [16, 8], strides = [1, 1]} : vector<16x64xf32> to vector<16x8xf32>
    %add3A_89 = arith.addf %slice3A_87, %slice3A_88 : vector<16x8xf32>
    %slice3A_90 = vector.extract_strided_slice %mul3A_86 {offsets = [0, 16], sizes = [16, 8], strides = [1, 1]} : vector<16x64xf32> to vector<16x8xf32>
    %add3A_91 = arith.addf %add3A_89, %slice3A_90 : vector<16x8xf32>
    %slice3A_92 = vector.extract_strided_slice %mul3A_86 {offsets = [0, 24], sizes = [16, 8], strides = [1, 1]} : vector<16x64xf32> to vector<16x8xf32>
    %add3A_93 = arith.addf %add3A_91, %slice3A_92 : vector<16x8xf32>
    %slice3A_94 = vector.extract_strided_slice %mul3A_86 {offsets = [0, 32], sizes = [16, 8], strides = [1, 1]} : vector<16x64xf32> to vector<16x8xf32>
    %add3A_95 = arith.addf %add3A_93, %slice3A_94 : vector<16x8xf32>
    %slice3A_96 = vector.extract_strided_slice %mul3A_86 {offsets = [0, 40], sizes = [16, 8], strides = [1, 1]} : vector<16x64xf32> to vector<16x8xf32>
    %add3A_97 = arith.addf %add3A_95, %slice3A_96 : vector<16x8xf32>
    %slice3A_98 = vector.extract_strided_slice %mul3A_86 {offsets = [0, 48], sizes = [16, 8], strides = [1, 1]} : vector<16x64xf32> to vector<16x8xf32>
    %add3A_99 = arith.addf %add3A_97, %slice3A_98 : vector<16x8xf32>
    %slice3A_100 = vector.extract_strided_slice %mul3A_86 {offsets = [0, 56], sizes = [16, 8], strides = [1, 1]} : vector<16x64xf32> to vector<16x8xf32>
    %add3A_101 = arith.addf %add3A_99, %slice3A_100 : vector<16x8xf32>
    %slice3A_102 = vector.extract_strided_slice %add3A_101 {offsets = [0, 0], sizes = [16, 4], strides = [1, 1]} : vector<16x8xf32> to vector<16x4xf32>
    %slice3A_103 = vector.extract_strided_slice %add3A_101 {offsets = [0, 4], sizes = [16, 4], strides = [1, 1]} : vector<16x8xf32> to vector<16x4xf32>
    %add3A_104 = arith.addf %slice3A_102, %slice3A_103 : vector<16x4xf32>
    %slice3A_105 = vector.extract_strided_slice %add3A_104 {offsets = [0, 0], sizes = [16, 2], strides = [1, 1]} : vector<16x4xf32> to vector<16x2xf32>
    %slice3A_106 = vector.extract_strided_slice %add3A_104 {offsets = [0, 2], sizes = [16, 2], strides = [1, 1]} : vector<16x4xf32> to vector<16x2xf32>
    %add3A_107 = arith.addf %slice3A_105, %slice3A_106 : vector<16x2xf32>
    %slice3A_108 = vector.extract_strided_slice %add3A_107 {offsets = [0, 0], sizes = [16, 1], strides = [1, 1]} : vector<16x2xf32> to vector<16x1xf32>
    %slice3A_109 = vector.extract_strided_slice %add3A_107 {offsets = [0, 1], sizes = [16, 1], strides = [1, 1]} : vector<16x2xf32> to vector<16x1xf32>
    %add3A_110 = arith.addf %slice3A_108, %slice3A_109 : vector<16x1xf32>
    %dot_general3A = arith.constant dense<0.000000e+00> : vector<16x2048xf32>
    %dot_general3A_111 = tpu.matmul %mul3A_85, %get3A_8, %dot_general3A {dimension_numbers = #tpu.dot_dimension_numbers<[1], [1], [0], [0], [0, 0, 1, 0], [], []>, transpose_lhs_hint = false} : vector<16x64xf32>, vector<2048x64xf32>, vector<16x2048xf32> -> vector<16x2048xf32>
    %mul3A_112 = arith.constant 2.000000e+00 : f32
    %mul3A_113 = vector.broadcast %mul3A_112 : f32 to vector<16x2048xf32>
    %mul3A_114 = arith.mulf %mul3A_113, %dot_general3A_111 : vector<16x2048xf32>
    %add3A_115 = vector.broadcast %add3A_110 : vector<16x1xf32> to vector<16x2048xf32>
    %add3A_116 = vector.broadcast %add3A_49 : vector<1x2048xf32> to vector<16x2048xf32>
    %add3A_117 = arith.addf %add3A_115, %add3A_116 : vector<16x2048xf32>
    %sub3A_118 = arith.subf %mul3A_114, %add3A_117 : vector<16x2048xf32>
    %swap3A = arith.constant 0 : index
    %swap3A_119 = arith.constant 0 : index
    %swap3A_120 = vector.load %arg3[%swap3A, %swap3A_119] : memref<16x2048xf32, #tpu.memory_space<vmem>>, vector<16x2048xf32>
    tpu.vector_store %arg3[%swap3A, %swap3A_119], %sub3A_118 {strides = array<i32>} : memref<16x2048xf32, #tpu.memory_space<vmem>>, vector<16x2048xf32>,
    return
  }
  func.func @transform_0(%arg0: i32) -> (i32, i32, i32) {
    %c0_i32 = arith.constant 0 : i32
    %c0_i32_0 = arith.constant 0 : i32
    %c0_i32_1 = arith.constant 0 : i32
    return %arg0, %c0_i32, %c0_i32_0 : i32, i32, i32
  }
  func.func @transform_1(%arg0: i32) -> (i32, i32, i32) {
    %c0_i32 = arith.constant 0 : i32
    %c0_i32_0 = arith.constant 0 : i32
    %c0_i32_1 = arith.constant 0 : i32
    return %arg0, %c0_i32, %c0_i32_0 : i32, i32, i32
  }
  func.func @transform_2(%arg0: i32) -> (i32, i32) {
    %c0_i32 = arith.constant 0 : i32
    %c0_i32_0 = arith.constant 0 : i32
    return %arg0, %c0_i32 : i32, i32
  }
}

</mosaic_0001>

<sc_bundles>
// kernel: kernel.4.cloned.1.call-start
scs
__scs_entry_jumppad:
0x0: {  	(pc) =	sbr.rel $0x88, $3  }
0x1: {  	(tag) =	ssettag $0x0;
	lr =	simm.s32 $0x1  }
0x2: {  	[smem:$0x3F9F] =	sst lr;
	_ =	strace $0xD0000000  }
0x3: {  	_ = 	snop  }
0x4: {  	_ = 	snop  }
0x5: {  	_ = 	snop  }
0x6: {  	_ = 	snop  }
0x7: {  	_ = 	snop  }
__scs_overlays_trampoline_lowered:
0x8: {  	[smem:$0x3FAE] =	sst s0  }
0x9: {  	[smem:$0x3FAF] =	sst s1  }
0xa: {  	[smem:$0x3FB0] =	sst s2  }
0xb: {  	[smem:$0x3FB1] =	sst s3  }
0xc: {  	[smem:$0x3FB2] =	sst s4  }
0xd: {  	[smem:$0x3FB3] =	sst s5  }
0xe: {  	[smem:$0x3FB4] =	sst s6  }
0xf: {  	[smem:$0x3FB5] =	sst s7  }
0x10: {  	[smem:$0x3FB6] =	sst s8  }
0x11: {  	[smem:$0x3FB7] =	sst s9;
	s0 =	simm.s32 @!p0 $0x0  }
0x12: {  	s1 =	sld [smem:$0x3F9D];
	s0 =	simm.s32 @p0 $0x1  }
0x13: {  	[smem:$0x3FB8] =	sst s0;
	s0 =	simm.s32 @!p1 $0x0  }
0x14: {  	s2 =	sld [smem:$0x3F9C];
	s0 =	simm.s32 @p1 $0x1  }
0x15: {  	[smem:$0x3FB9] =	sst s0;
	s0 =	simm.s32 @!p2 $0x0  }
0x16: {  	s3 =	sld [smem:$0x3FDB];
	s0 =	simm.s32 @p2 $0x1  }
0x17: {  	s4 =	simm.s32 $0x1BF5;
	[smem:$0x3FBB] =	sst s0  }
0x18: {  	s0 =	sld [smem:$0x3F9E];
	_ =	swait.ge [sflag:s4], $0x0  }
0x19: {  	s7 =	sld [smem:$0x3F9F]  }
0x1a: {  	s8 =	sadd.s32 $0xFFFFE003, lr  }
0x1b: {  	s9 =	sadd.s32 $0xFFFFFEF7, lr;
	s5 =	simm.s32 $0xFFFFFFFF;
	p2 =	slt.u32 s8, $0xFFFFF086  }
0x1c: {  	p1 =	slt.u32 s9, $0xF7A;
	s5 =	simm.s32 @!p2 $0x0  }
0x1d: {  	s5 =	simm.s32 @p1 $0x1;
	p0 =	seq.s32 s7, s2  }
0x1e: {  	s7 =	smul.u32 @!p0 $0xF7A, s2;
	p2 =	seq.s32 @!p0 s5, $0x0  }
0x1f: {  	s9 =	smul.u32 $0xF7A, s1;
	s8 =	simm.s32 @!p0 $0x1BF5;
	p2 =	por !p2, p0  }
0x20: {  	[sflag:s8] =	ssyncset.s32 @!p0 $0xFFFFF086;
	s6 =	sadd.s32 @!p0 s3, s7;
	s7 =	simm.s32 @!p0 $0x108  }
0x21: {  	s3 =	sadd.s32 s3, s9;
	s6 =	sadd.s32 @!p0 $0x88, s6;
	s7 =	simm.s32 @p2 $0x1082  }
0x22: {  	[simem:s7], [sflag:s8] =	dma.local @!p0 [hbm:s6], $0xF7A  }
0x23: {  	s9 =	sor.u32 $0xD0000000, s2;
	s6 =	simm.s32 $0x108;
	_ =	swait.ge @!p0 [sflag:s8], $0x0  }
0x24: {  	s3 =	sadd.s32 $0x88, s3;
	s6 =	simm.s32 @!p1 $0x1082;
	[sflag:s4] =	ssyncset.s32 $0xFFFFF086  }
0x25: {  	[simem:s6], [sflag:s4] =	dma.local [hbm:s3], $0xF7A  }
0x26: {  	[smem:$0x3F9F] =	sst s1;
	(tag) =	ssettag s2;
	_ =	strace s9  }
0x27: {  	s1 =	sld [smem:$0x3FAF]  }
0x28: {  	s2 =	sld [smem:$0x3FB0]  }
0x29: {  	s4 =	sld [smem:$0x3FB2]  }
0x2a: {  	p0 =	seq.s32 s5, $0x0;
	s5 =	sld [smem:$0x3FB3]  }
0x2b: {  	s6 =	sld [smem:$0x3FB4]  }
0x2c: {  	s7 =	sld [smem:$0x3FB5]  }
0x2d: {  	s3 =	simm.s32 $0x108;
	s8 =	sld [smem:$0x3FB6]  }
0x2e: {  	s3 =	simm.s32 @!p0 $0x1082;
	s9 =	sld [smem:$0x3FB7]  }
0x2f: {  	lr =	sadd.s32 s0, s3;
	s0 =	sld [smem:$0x3FAE]  }
0x30: {  	s3 =	sld [smem:$0x3FB1]  }
0x31: {  	[smem:$0x3FBA] =	sst s10  }
0x32: {  	s10 =	sld [smem:$0x3FB8];
	_ =	sdelay $0x3  }
0x33: {  	p0 =	seq.s32 s10, $0x1;
	s10 =	sld [smem:$0x3FBA];
	_ =	sdelay $0x3  }
0x34: {  	[smem:$0x3FBA] =	sst s10  }
0x35: {  	s10 =	sld [smem:$0x3FB9];
	_ =	sdelay $0x3  }
0x36: {  	p1 =	seq.s32 s10, $0x1;
	s10 =	sld [smem:$0x3FBA];
	_ =	sdelay $0x3  }
0x37: {  	[smem:$0x3FBA] =	sst s10  }
0x38: {  	s10 =	sld [smem:$0x3FBB]  }
0x39: {  	_ = 	snop;
	(pc) =	sbr.ind lr, $3  }
0x3a: {  	_ = 	snop  }
0x3b: {  	_ = 	snop  }
0x3c: {  	p2 =	seq.s32 s10, $0x1;
	s10 =	sld [smem:$0x3FBA]  }
0x3d: {  	_ =	shalt  }
0x3e: {  	_ =	shalt  }
0x3f: {  	_ =	shalt  }
0x40: {  	_ =	shalt  }
0x41: {  	_ =	shalt  }
0x42: {  	_ =	shalt  }
0x43: {  	_ =	shalt  }
0x44: {  	_ =	shalt  }
0x45: {  	_ =	shalt  }
0x46: {  	_ =	shalt  }
0x47: {  	_ =	shalt  }
0x48: {  	_ =	shalt  }
0x49: {  	_ =	shalt  }
0x4a: {  	_ =	shalt  }
0x4b: {  	_ =	shalt  }
0x4c: {  	_ =	shalt  }
0x4d: {  	_ =	shalt  }
0x4e: {  	_ =	shalt  }
0x4f: {  	_ =	shalt  }
0x50: {  	_ =	shalt  }
0x51: {  	_ =	shalt  }
0x52: {  	_ =	shalt  }
0x53: {  	_ =	shalt  }
0x54: {  	_ =	shalt  }
0x55: {  	_ =	shalt  }
0x56: {  	_ =	shalt  }
0x57: {  	_ =	shalt  }
0x58: {  	_ =	shalt  }
0x59: {  	_ =	shalt  }
0x5a: {  	_ =	shalt  }
0x5b: {  	_ =	shalt  }
0x5c: {  	_ =	shalt  }
0x5d: {  	_ =	shalt  }
0x5e: {  	_ =	shalt  }
0x5f: {  	_ =	shalt  }
0x60: {  	_ =	shalt  }
0x61: {  	_ =	shalt  }
0x62: {  	_ =	shalt  }
0x63: {  	_ =	shalt  }
0x64: {  	_ =	shalt  }
0x65: {  	_ =	shalt  }
0x66: {  	_ =	shalt  }
0x67: {  	_ =	shalt  }
0x68: {  	_ =	shalt  }
0x69: {  	_ =	shalt  }
0x6a: {  	_ =	shalt  }
0x6b: {  	_ =	shalt  }
0x6c: {  	_ =	shalt  }
0x6d: {  	_ =	shalt  }
0x6e: {  	_ =	shalt  }
0x6f: {  	_ =	shalt  }
0x70: {  	_ =	shalt  }
0x71: {  	_ =	shalt  }
0x72: {  	_ =	shalt  }
0x73: {  	_ =	shalt  }
0x74: {  	_ =	shalt  }
0x75: {  	_ =	shalt  }
0x76: {  	_ =	shalt  }
0x77: {  	_ =	shalt  }
0x78: {  	_ =	shalt  }
0x79: {  	_ =	shalt  }
0x7a: {  	_ =	shalt  }
0x7b: {  	_ =	shalt  }
0x7c: {  	_ =	shalt  }
0x7d: {  	_ =	shalt  }
0x7e: {  	_ =	shalt  }
0x7f: {  	_ =	shalt  }
0x80: {  	_ =	shalt  }
0x81: {  	_ =	shalt  }
0x82: {  	_ =	shalt  }
0x83: {  	_ =	shalt  }
0x84: {  	_ =	shalt  }
0x85: {  	_ =	shalt  }
0x86: {  	_ =	shalt  }
0x87: {  	_ =	shalt  }
.Lfunc_end0:
.L_simem_size_0:
called_computation_lowered:
.L_overlay_start_0:
0x88: {  	s2 =	sld [smem:$0x3FD9]  }
0x89: {  	s3 =	sld [smem:$0x3FFE];
	_ =	sdelay $0x1  }
0x8a: {  	s1 =	srdreg.scid  }
0x8b: {  	s0 =	sand.u32 $0x1, s1  }
0x8c: {  	s17 =	sshll.u32 s0, $0xA;
	s2 =	sadd.s32 s3, s2  }
0x8d: {  	s2 =	sadd.s32 s2, s17  }
0x8e: {  	[smem:$0x3FC6] =	sst s2  }
0x8f: {  	_ = 	snop  }
0x90: {  	s2 =	sld [smem:$0x3FD0];
	(tm) =	ssettm $0x1  }
0x91: {  	s18 =	sld [smem:$0x3FFB];
	_ =	sdelay $0x3  }
0x92: {  	_ =	strace s18  }
0x93: {  	s3 =	sld [smem:$0x3FFC];
	_ =	sdelay $0x3  }
0x94: {  	_ =	strace s3  }
0x95: {  	s3 =	sld [smem:$0x3FFD];
	_ =	sdelay $0x3  }
0x96: {  	_ =	strace s3  }
0x97: {  	_ =	strace $0x8FFFFFFF  }
0x98: {  	s19 =	sld [smem:$0x3FDB];
	_ =	sdelay $0x1  }
0x99: {  	s4 =	simm.s32 $_scs_section_size  }
0x9a: {  	s5 =	simm.s32 $_size__tile_overlayer_lowered;
	s6 =	simm.s32 $_tile_overlayer_lowered  }
0x9b: {  	s22 =	simm.s32 $0x1BFF;
	s21 =	sshll.u32 s6, $0x1;
	s3 =	sadd.s32 s4, s19  }
0x9c: {  	s7 =	simm.s32 $0x0;
	s20 =	sshll.u32 s5, $0x1;
	s5 =	sadd.s32 s21, s3  }
0x9d: {  	[timem:s7], [sflag:s22] =	dma.local [hbm:s5], s20  }
0x9e: {  	_ =	swait.ge [sflag:s22], s20  }
0x9f: {  	s4 =	ssub.s32 $0x0, s20;
	[sflag:s22] =	ssyncset.done $0x0  }
0xa0: {  	[sflag:s22] =	ssyncadd.s32 s4;
	_ =	sdelay $0x1  }
0xa1: {  	s23 =	simm.s32 $0x1B8B  }
0xa2: {  	_ =	swait.ge [sflag:s23], $0x1  }
0xa3: {  	[sflag:s23] =	ssyncset.done $0x0  }
0xa4: {  	s25 =	simm.s32 $0x1B8E;
	s24 =	sld [smem:$0x3FFE];
	[sflag:s23] =	ssyncadd.s32 $0xFFFFFFFF  }
0xa5: {  	s26 =	simm.s32 $execute0_lowered;
	[smem:$0x3FD2] =	sst s25  }
0xa6: {  	s5 =	sshll.u32 s26, $0x1;
	_ =	strace $0x80000046;
	[dreg:$0x1] =	wrdreg $0xFFFFFFFF  }
0xa7: {  	s28 =	simm.s32 $_size_execute0_lowered;
	s3 =	sadd.s32 s3, s5;
	[dreg:$0x0] =	wrdreg $0x0  }
0xa8: {  	s5 =	sshll.u32 s28, $0x1;
	[dreg:$0x2] =	wrdreg s3  }
0xa9: {  	[dreg:$0x3] =	wrdreg s5  }
0xaa: {  	[dreg:$0x4] =	wrdreg $0xC0  }
0xab: {  	_ =	task [dreg:s7], $0x5FFFF  }
0xac: {  	[dreg:$0x1] =	wrdreg $0xFFFFFFFF  }
0xad: {  	[dreg:$0x0] =	wrdreg $0x60  }
0xae: {  	[dreg:$0x2] =	wrdreg s24  }
0xaf: {  	[dreg:$0x3] =	wrdreg s2  }
0xb0: {  	[dreg:$0x4] =	wrdreg $0x9  }
0xb1: {  	_ =	task.clear_ibuf [dreg:s7], $0x5FFFF;
	_ =	strace $0x90000046  }
0xb2: {  	s29 =	simm.s32 $0x9;
	_ =	strace $0x80000048  }
0xb3: {  	_ =	swait.ge [sflag:s29], $0x1  }
0xb4: {  	[sflag:s29] =	ssyncadd.s32 $0xFFFFFFFF  }
0xb5: {  	_ =	strace $0x90000048  }
0xb6: {  	_ =	sfence  }
0xb7: {  	s30 =	sld [smem:$0x0];
	_ =	sdelay $0x2  }
0xb8: {  	s31 =	sshll.u32 s1, $0xD;
	s1 =	sshrl.u32 s1, $0x2  }
0xb9: {  	s3 =	sand.u32 $0x4000, s31;
	s1 =	sadd.s32 s1, s30  }
0xba: {  	s0 =	sor.u32 s3, s0;
	s1 =	sshll.u32 s1, $0x11  }
0xbb: {  	s0 =	sor.u32 s1, s0  }
0xbc: {  	s0 =	sadd.s32 $0x8F2B, s0  }
0xbd: {  	[sflag:s0] =	ssyncadd.remote.s32 $0x1  }
0xbe: {  	_ =	sfence.sel $0xFFFF  }
0xbf: {  	[dreg:$0x0] =	wrdreg $0xFFFFFFFF;
	(pc) =	sbr.abs _section_cstart, $3  }
0xc0: {  	[dreg:$0x1] =	wrdreg $0xFFFFFFFF  }
0xc1: {  	_ =	task.clear_ibuf [dreg:s7], $0x2FFFF;
	_ =	strace $0x9FFFFFFF  }
0xc2: {  	(tm) =	ssettm $0x7FFFFFFF  }
0xc3: {  	_ =	shalt  }
tec
execute0_lowered:
.L_overlay_start_1:
0x0: {  	(tag) =	ssettag $0x1  }
0x1: {  	s4 =	rddreg [dreg:$0x0]  }
0x2: {  	s1 =	rddreg [dreg:$0x1]  }
0x3: {  	s3 =	srdreg.scid;
	s0 =	rddreg [dreg:$0x2];
	s2 =	simm.s32 $0x0  }
0x4: {  	s8 =	simm.s32 $0x8000;
	s9 =	simm.s32 $0x0;
	s5 =	sand.u32 $0x1, s3  }
0x5: {  	v0 =	vlaneseq.u32;
	[smem:$0x7FF] =	sst s2;
	s3 =	stileid.u32;
	s6 =	ssub.s32 $0x2, s5  }
0x6: {  	v2 =	vmul.u32 $0xFFFFFFFF, v0;
	s4 =	sadd.s32 $0x800, s4;
	_ =	strace $0x80000047;
	s7 =	sshrl.u32 s6, $0x1  }
0x7: {  	v1 =	vor.u32 $0x10, v0;
	s31 =	sshll.u32 s3, $0x7;
	s5 =	sshll.u32 s5, $0x6;
	s6 =	ssub.s32 s6, s7  }
0x8: {  	v3 =	vor.u32 $0x20, v0;
	v4 =	vor.u32 $0x30, v0;
	s5 =	sor.u32 s5, s31;
	v2 =	vadd.s32 $0xF, v2;
	s7 =	simm.s32 $0x1;
	s6 =	smax.u32 s6, $0x1  }
.LBB2_1:
0x9: {  	s10 =	simm.s32 $0x0  }
.LBB2_2:
0xa: {  	s11 =	sshll.u32 s10, $0x4  }
0xb: {  	s11 =	sadd.s32 s5, s11  }
0xc: {  	s12 =	sshll.u32 s11, $0x8  }
0xd: {  	s13 =	sadd.s32 s4, s12;
	s12 =	simm.s32 $0x0  }
0xe: {  	[tilespmem:s12], [sflag:$0x1] =	stream.linear.gather [hbm4b:s13+s12], $0x8000, $0x38;
	[tilespmem:$0x8800] =	vst v63  }
0xf: {  	_ =	swait.ge [sflag:s7], $0x8000  }
0x10: {  	[sflag:s7] =	ssyncset.done $0x0  }
0x11: {  	[sflag:s7] =	ssyncadd.s32 $0xFFFF8000  }
.LBB2_3:
0x12: {  	s14 =	sshll.u32 s12, $0xB;
	s13 =	sshll.u32 s12, $0x7  }
0x13: {  	s14 =	sand.u32 $0x4000, s14;
	s15 =	sand.u32 $0x380, s13  }
0x14: {  	s16 =	sor.u32 s15, s14  }
0x15: {  	v5 =	vld [tilespmem:s16+$0x0]  }
0x16: {  	v6 =	vld [tilespmem:s16+$0x10];
	_ =	sdelay $0x3  }
0x17: {  	v5 =	vsub.f32 $0.0e+00, v5  }
0x18: {  	v6 =	vsub.f32 $0.0e+00, v6  }
0x19: {  	(xrf1) =	vsort.ascd.msk.f32 $0xffff, v5, v0  }
0x1a: {  	(xrf1) =	vsort.ascd.msk.f32 $0xffff, v6, v1;
	_ =	sdelay $0xc  }
0x1b: {  	v5, v6, _ =	vpop (xrf1)  }
0x1c: {  	v7, v8, _ =	vpop (xrf1)  }
0x1d: {  	v7 =	vsub.f32 $0.0e+00, v7;
	_ =	sdelay $0x1  }
0x1e: {  	v5 =	vsub.f32 $0.0e+00, v5;
	v8 =	vperm.xlane v8, v2;
	v7 =	vperm.xlane v7, v2;
	_ =	sdelay $0x1  }
0x1f: {  	vm1 =	vlt.s32 v6, v8;
	vm0 =	veq.f32 v5, v7  }
0x20: {  	v9 =	vld [tilespmem:s16+$0x20];
	vm2 =	vgt.f32 v5, v7;
	vm0 =	vmand vm1, vm0  }
0x21: {  	v10 =	vld [tilespmem:s16+$0x30];
	vm0 =	vmor vm2, vm0  }
0x22: {  	v11 =	vsel vm0, v5, v7  }
0x23: {  	v5 =	vsel vm0, v7, v5;
	v7 =	vsub.f32 $0.0e+00, v11  }
0x24: {  	v11 =	vsel vm0, v6, v8;
	v5 =	vsub.f32 $0.0e+00, v5  }
0x25: {  	v6 =	vsel vm0, v8, v6;
	(xrf1) =	vsort.ascd.msk.f32 $0xffff, v7, v11;
	v7 =	vsub.f32 $0.0e+00, v9  }
0x26: {  	(xrf1) =	vsort.ascd.msk.f32 $0xffff, v5, v6;
	v5 =	vsub.f32 $0.0e+00, v10  }
0x27: {  	(xrf1) =	vsort.ascd.msk.f32 $0xffff, v7, v3  }
0x28: {  	(xrf1) =	vsort.ascd.msk.f32 $0xffff, v5, v4;
	_ =	sdelay $0xa  }
0x29: {  	v8, v6, _ =	vpop (xrf1)  }
0x2a: {  	v9, v7, _ =	vpop (xrf1)  }
0x2b: {  	v10, v11, _ =	vpop (xrf1)  }
0x2c: {  	v5, v12, _ =	vpop (xrf1)  }
0x2d: {  	v13 =	vsub.f32 $0.0e+00, v5;
	v5 =	vmov s15  }
0x2e: {  	s19 =	simm.s32 $0x200  }
0x2f: {  	s20 =	simm.s32 $0x40;
	v10 =	vsub.f32 $0.0e+00, v10;
	v12 =	vperm.xlane v12, v2;
	s15 =	sand.u32 $0x3C00, s19;
	v13 =	vperm.xlane v13, v2  }
0x30: {  	s17 =	sand.u32 $0x40, s20;
	s15 =	sadd.s32 s15, s14  }
0x31: {  	vm1 =	vlt.s32 v11, v12;
	s17 =	sadd.s32 s17, s15;
	vm0 =	veq.f32 v10, v13  }
0x32: {  	vm2 =	vgt.f32 v10, v13;
	vm0 =	vmand vm1, vm0;
	v14 =	vld.idx.msk [tilespmem:v5+s17+$0x0 ss:$0x1], $0xffff  }
0x33: {  	s18 =	simm.s32 $0x60;
	v15 =	vld.idx.msk [tilespmem:v5+s17+$0x10 ss:$0x1], $0xffff;
	vm0 =	vmor vm2, vm0  }
0x34: {  	s19 =	sand.u32 $0x60, s18;
	v17 =	vld.idx.msk [tilespmem:v5+s17+$0x30 ss:$0x1], $0xffff;
	v16 =	vsel vm0, v10, v13  }
0x35: {  	s15 =	sadd.s32 s19, s15;
	v10 =	vsel vm0, v13, v10;
	v13 =	vsub.f32 $0.0e+00, v16  }
0x36: {  	v18 =	vld.idx.msk [tilespmem:v5+s15+$0x0 ss:$0x1], $0xffff;
	v16 =	vsel vm0, v11, v12;
	v10 =	vsub.f32 $0.0e+00, v10  }
0x37: {  	v11 =	vsel vm0, v12, v11;
	(xrf1) =	vsort.ascd.msk.f32 $0xffff, v13, v16;
	v12 =	vsub.f32 $0.0e+00, v14  }
0x38: {  	(xrf1) =	vsort.ascd.msk.f32 $0xffff, v10, v11;
	v10 =	vor.u32 s20, v0;
	v11 =	vsub.f32 $0.0e+00, v15  }
0x39: {  	v13 =	vor.u32 s20, v1;
	v14 =	vsub.f32 $0.0e+00, v17;
	(xrf1) =	vsort.ascd.msk.f32 $0xffff, v12, v10  }
0x3a: {  	v10 =	vor.u32 s18, v1;
	(xrf1) =	vsort.ascd.msk.f32 $0xffff, v11, v13  }
0x3b: {  	v11 =	vsub.f32 $0.0e+00, v18;
	(xrf1) =	vsort.ascd.msk.f32 $0xffff, v14, v10  }
0x3c: {  	v10 =	vor.u32 s18, v0  }
0x3d: {  	(xrf1) =	vsort.ascd.msk.f32 $0xffff, v11, v10;
	_ =	sdelay $0x7  }
0x3e: {  	v11, v10, _ =	vpop (xrf1)  }
0x3f: {  	v13, v12, _ =	vpop (xrf1)  }
0x40: {  	v14, v15, _ =	vpop (xrf1)  }
0x41: {  	v16, v17, _ =	vpop (xrf1)  }
0x42: {  	v18, v19, _ =	vpop (xrf1)  }
0x43: {  	v18 =	vsub.f32 $0.0e+00, v18  }
0x44: {  	v20, v21, _ =	vpop (xrf1)  }
0x45: {  	v19 =	vperm.xlane v19, v2;
	v20 =	vsub.f32 $0.0e+00, v20;
	v18 =	vperm.xlane v18, v2  }
0x46: {  	s21 =	simm.s32 $0x400  }
0x47: {  	s22 =	simm.s32 $0x80;
	s15 =	sand.u32 $0x3C00, s21;
	vm0 =	vlt.s32 v21, v19;
	vm1 =	veq.f32 v20, v18  }
0x48: {  	s23 =	sand.u32 $0x40, s22;
	s15 =	sadd.s32 s15, s14;
	vm2 =	vgt.f32 v20, v18;
	vm0 =	vmand vm0, vm1  }
0x49: {  	s17 =	sadd.s32 s23, s15;
	vm0 =	vmor vm2, vm0  }
0x4a: {  	v23 =	vld.idx.msk [tilespmem:v5+s17+$0x0 ss:$0x1], $0xffff;
	v22 =	vsel vm0, v20, v18  }
0x4b: {  	v37 =	vld.idx.msk [tilespmem:v5+s17+$0x10 ss:$0x1], $0xffff;
	v18 =	vsel vm0, v18, v20;
	v20 =	vsub.f32 $0.0e+00, v22  }
0x4c: {  	s24 =	simm.s32 $0xA0;
	v36 =	vsel vm0, v21, v19;
	v18 =	vsub.f32 $0.0e+00, v18  }
0x4d: {  	s25 =	sand.u32 $0x60, s24;
	v19 =	vsel vm0, v19, v21;
	(xrf1) =	vsort.ascd.msk.f32 $0xffff, v20, v36;
	v20 =	vld.idx.msk [tilespmem:v5+s17+$0x30 ss:$0x1], $0xffff  }
0x4e: {  	s15 =	sadd.s32 s25, s15;
	(xrf1) =	vsort.ascd.msk.f32 $0xffff, v18, v19  }
0x4f: {  	v18 =	vld.idx.msk [tilespmem:v5+s15+$0x0 ss:$0x1], $0xffff;
	v19 =	vsub.f32 $0.0e+00, v23  }
0x50: {  	v38 =	vor.u32 s22, v0;
	v21 =	vsub.f32 $0.0e+00, v37  }
0x51: {  	v39 =	vor.u32 s22, v1;
	(xrf1) =	vsort.ascd.msk.f32 $0xffff, v19, v38  }
0x52: {  	(xrf1) =	vsort.ascd.msk.f32 $0xffff, v21, v39;
	v20 =	vsub.f32 $0.0e+00, v20  }
0x53: {  	v16 =	vsub.f32 $0.0e+00, v16;
	v19 =	vor.u32 s24, v1  }
0x54: {  	v14 =	vsub.f32 $0.0e+00, v14;
	v18 =	vsub.f32 $0.0e+00, v18;
	(xrf1) =	vsort.ascd.msk.f32 $0xffff, v20, v19  }
0x55: {  	s26 =	simm.s32 $0x600;
	v17 =	vperm.xlane v17, v2;
	v16 =	vperm.xlane v16, v2;
	v19 =	vor.u32 s24, v0  }
0x56: {  	s28 =	simm.s32 $0xE0;
	s29 =	simm.s32 $0xC0;
	s15 =	sand.u32 $0x3C00, s26;
	(xrf1) =	vsort.ascd.msk.f32 $0xffff, v18, v19  }
0x57: {  	s30 =	sand.u32 $0x60, s28;
	s31 =	sand.u32 $0x40, s29;
	vm1 =	veq.f32 v14, v16;
	vm0 =	vlt.s32 v15, v17;
	s15 =	sadd.s32 s15, s14  }
0x58: {  	vm2 =	vgt.f32 v14, v16;
	vm0 =	vmand vm0, vm1;
	s18 =	sadd.s32 s30, s15;
	s15 =	sadd.s32 s31, s15  }
0x59: {  	v8 =	vsub.f32 $0.0e+00, v8;
	vm0 =	vmor vm2, vm0;
	v28 =	vld.idx.msk [tilespmem:v5+s15+$0x10 ss:$0x1], $0xffff  }
0x5a: {  	v9 =	vsub.f32 $0.0e+00, v9;
	v18 =	vsel vm0, v14, v16;
	v14 =	vsel vm0, v16, v14  }
0x5b: {  	v16 =	vsel vm0, v17, v15;
	v14 =	vsub.f32 $0.0e+00, v14;
	v18 =	vsub.f32 $0.0e+00, v18;
	v19, v20, _ =	vpop (xrf1)  }
0x5c: {  	v11 =	vsub.f32 $0.0e+00, v11;
	v15 =	vsel vm0, v15, v17;
	v19 =	vsub.f32 $0.0e+00, v19;
	v41, v40, _ =	vpop (xrf1)  }
0x5d: {  	v17 =	vperm.xlane v20, v2;
	v20 =	vsub.f32 $0.0e+00, v41;
	v42 =	vperm.xlane v40, v2  }
0x5e: {  	v13 =	vsub.f32 $0.0e+00, v13;
	v52 =	vsub.f32 $0.0e+00, v28;
	(xrf1) =	vsort.ascd.msk.f32 $0xffff, v14, v16;
	v19 =	vperm.xlane v19, v2  }
0x5f: {  	vm0 =	vlt.s32 v12, v17;
	v14, v16, _ =	vpop (xrf1);
	v20 =	vperm.xlane v20, v2;
	vm1 =	vlt.s32 v10, v42  }
0x60: {  	(xrf1) =	vsort.ascd.msk.f32 $0xffff, v18, v15;
	v15, v18, _ =	vpop (xrf1);
	v14 =	vsub.f32 $0.0e+00, v14;
	vm2 =	vgt.f32 v13, v19;
	vm3 =	veq.f32 v13, v19  }
0x61: {  	v15 =	vsub.f32 $0.0e+00, v15;
	vm4 =	veq.f32 v11, v20;
	vm0 =	vmand vm3, vm0  }
0x62: {  	vm5 =	vgt.f32 v11, v20;
	vm1 =	vmand vm4, vm1;
	vm0 =	vmor vm2, vm0;
	v44, v43, _ =	vpop (xrf1)  }
0x63: {  	v15 =	vperm.xlane v15, v2;
	v12 =	vsel vm0, v12, v17;
	v22 =	vsub.f32 $0.0e+00, v44  }
0x64: {  	v17 =	vperm.xlane v18, v2;
	v18 =	vperm.xlane v43, v2;
	v45, v24, _ =	vpop (xrf1);
	vm1 =	vmor vm5, vm1  }
0x65: {  	v13 =	vsel vm0, v13, v19;
	v23 =	vsub.f32 $0.0e+00, v45;
	v19 =	vperm.xlane v22, v2  }
0x66: {  	vm11 =	veq.f32 v14, v15;
	v10 =	vsel vm1, v10, v42;
	v11 =	vsel vm1, v11, v20  }
0x67: {  	vm2 =	vlt.s32 v16, v17;
	vm3 =	vlt.s32 v24, v18;
	vm12 =	veq.f32 v23, v19  }
0x68: {  	vm13 =	vlt.s32 v10, v12;
	vm14 =	vgt.f32 v23, v19;
	vm3 =	vmand vm3, vm12  }
0x69: {  	vm1 =	vmand vm2, vm11;
	vm2 =	veq.f32 v11, v13;
	vm3 =	vmor vm14, vm3  }
0x6a: {  	v51 =	vld.idx.msk [tilespmem:v5+s15+$0x30 ss:$0x1], $0xffff;
	vm15 =	vgt.f32 v11, v13;
	vm2 =	vmand vm2, vm13;
	v46 =	vsel vm3, v23, v19  }
0x6b: {  	vm0 =	vgt.f32 v14, v15;
	vm2 =	vmor vm15, vm2;
	v21 =	vsub.f32 $0.0e+00, v46  }
0x6c: {  	v48 =	vld.idx.msk [tilespmem:v5+s15+$0x0 ss:$0x1], $0xffff;
	v27 =	vsel vm2, v13, v11;
	v25 =	vsel vm3, v24, v18;
	v19 =	vsel vm3, v19, v23  }
0x6d: {  	v11 =	vsel vm2, v11, v13;
	v50 =	vsel vm2, v12, v10;
	v49, v26, _ =	vpop (xrf1);
	v19 =	vsub.f32 $0.0e+00, v19;
	(xrf1) =	vsort.ascd.msk.f32 $0xffff, v21, v25  }
0x6e: {  	v47 =	vld.idx.msk [tilespmem:v5+s18+$0x0 ss:$0x1], $0xffff;
	v18 =	vsel vm3, v18, v24;
	v13 =	vsub.f32 $0.0e+00, v27;
	v24 =	vsub.f32 $0.0e+00, v49  }
0x6f: {  	v53 =	vsub.f32 $0.0e+00, v51;
	v10 =	vsel vm2, v10, v12;
	v12 =	vperm.xlane v26, v2;
	(xrf1) =	vsort.ascd.msk.f32 $0xffff, v19, v18  }
0x70: {  	v20 =	vor.u32 s29, v0;
	v11 =	vsub.f32 $0.0e+00, v11;
	v29, v30, _ =	vpop (xrf1);
	v24 =	vperm.xlane v24, v2;
	(xrf1) =	vsort.ascd.msk.f32 $0xffff, v13, v50  }
0x71: {  	vm0 =	vmor vm0, vm1;
	vm3 =	vlt.s32 v6, v12;
	v18 =	vsub.f32 $0.0e+00, v29  }
0x72: {  	vm2 =	veq.f32 v8, v24;
	vm10 =	vgt.f32 v8, v24;
	(xrf1) =	vsort.ascd.msk.f32 $0xffff, v11, v10;
	v11 =	vsub.f32 $0.0e+00, v48  }
0x73: {  	v18 =	vperm.xlane v18, v2;
	v10 =	vperm.xlane v30, v2;
	vm2 =	vmand vm2, vm3  }
0x74: {  	v19 =	vor.u32 s29, v1;
	v13 =	vsub.f32 $0.0e+00, v47;
	vm1 =	vmor vm10, vm2;
	(xrf1) =	vsort.ascd.msk.f32 $0xffff, v11, v20  }
0x75: {  	vm8 =	veq.f32 v9, v18;
	vm9 =	vlt.s32 v7, v10;
	v11 =	vor.u32 s28, v1;
	(xrf1) =	vsort.ascd.msk.f32 $0xffff, v52, v19  }
0x76: {  	vm3 =	vgt.f32 v9, v18;
	vm4 =	vmand vm8, vm9;
	v19 =	vor.u32 s28, v0;
	(xrf1) =	vsort.ascd.msk.f32 $0xffff, v53, v11  }
0x77: {  	v8 =	vsel vm1, v8, v24;
	v6 =	vsel vm1, v6, v12;
	vm3 =	vmor vm3, vm4;
	(xrf1) =	vsort.ascd.msk.f32 $0xffff, v13, v19  }
0x78: {  	v9 =	vsel vm3, v9, v18;
	v7 =	vsel vm3, v7, v10;
	v10 =	vsel vm0, v14, v15  }
0x79: {  	v12 =	vsel vm0, v17, v16;
	vm1 =	veq.f32 v8, v9;
	vm2 =	vlt.s32 v6, v7  }
0x7a: {  	v11 =	vsel vm0, v15, v14;
	vm3 =	vgt.f32 v8, v9;
	vm1 =	vmand vm1, vm2  }
0x7b: {  	v19 =	vsel vm0, v16, v17;
	v20 =	vsub.f32 $0.0e+00, v10;
	vm0 =	vmor vm3, vm1;
	v10, v13, _ =	vpop (xrf1)  }
0x7c: {  	v14 =	vsel vm0, v8, v9;
	v9 =	vsel vm0, v9, v8;
	v8 =	vsub.f32 $0.0e+00, v10  }
0x7d: {  	v16 =	vsel vm0, v6, v7;
	v10 =	vperm.xlane v13, v2;
	v13, v15, _ =	vpop (xrf1)  }
0x7e: {  	v6 =	vsel vm0, v7, v6;
	v7 =	vsub.f32 $0.0e+00, v13;
	v18 =	vperm.xlane v15, v2;
	v13, v15, _ =	vpop (xrf1)  }
0x7f: {  	v54 =	vsub.f32 $0.0e+00, v14;
	v55 =	vperm.xlane v8, v2;
	v13 =	vsub.f32 $0.0e+00, v13  }
0x80: {  	v57 =	vsub.f32 $0.0e+00, v11;
	v9 =	vsub.f32 $0.0e+00, v9;
	vm0 =	vlt.s32 v15, v10;
	v8, v56, _ =	vpop (xrf1)  }
0x81: {  	(xrf1) =	vsort.ascd.msk.f32 $0xffff, v54, v16;
	v58 =	vperm.xlane v7, v2;
	vm3 =	veq.f32 v13, v55;
	v59 =	vsub.f32 $0.0e+00, v8  }
0x82: {  	vm2 =	vgt.f32 v13, v55;
	vm1 =	vlt.s32 v56, v18;
	vm0 =	vmand vm3, vm0  }
0x83: {  	v7, v8, _ =	vpop (xrf1);
	vm0 =	vmor vm2, vm0;
	vm11 =	vgt.f32 v59, v58;
	vm12 =	veq.f32 v59, v58  }
0x84: {  	(xrf1) =	vsort.ascd.msk.f32 $0xffff, v57, v12;
	v11, v14, _ =	vpop (xrf1);
	v60 =	vsub.f32 $0.0e+00, v7;
	v7 =	vsel vm0, v15, v10;
	v13 =	vsel vm0, v13, v55  }
0x85: {  	(xrf1) =	vsort.ascd.msk.f32 $0xffff, v20, v19;
	vm1 =	vmand vm12, vm1;
	v17 =	vsub.f32 $0.0e+00, v11;
	v62, v61, _ =	vpop (xrf1);
	v11 =	vperm.xlane v14, v2  }
0x86: {  	(xrf1) =	vsort.ascd.msk.f32 $0xffff, v9, v6;
	v14 =	vperm.xlane v61, v2;
	v10, v15, _ =	vpop (xrf1);
	vm1 =	vmor vm11, vm1;
	v16 =	vsub.f32 $0.0e+00, v62  }
0x87: {  	v63 =	vperm.xlane v17, v2;
	v17 =	vsub.f32 $0.0e+00, v10;
	vm0 =	vlt.s32 v8, v11  }
0x88: {  	v10 =	vsel vm1, v56, v18;
	vm2 =	vlt.s32 v15, v14;
	v18 =	vperm.xlane v16, v2  }
0x89: {  	v16 =	vsel vm1, v59, v58;
	vm15 =	vlt.s32 v10, v7;
	vm13 =	veq.f32 v60, v63  }
0x8a: {  	vm3 =	vgt.f32 v60, v63;
	vm14 =	veq.f32 v16, v13;
	vm0 =	vmand vm0, vm13  }
0x8b: {  	vm1 =	vmor vm3, vm0;
	vm0 =	vgt.f32 v16, v13;
	vm3 =	vmand vm14, vm15  }
0x8c: {  	s18 =	simm.s32 $0x120;
	s15 =	simm.s32 $0x800;
	v9 =	vsel vm1, v60, v63;
	v6 =	vsel vm1, v63, v60;
	vm0 =	vmor vm0, vm3  }
.LBB2_4:
0x8d: {  	s19 =	sadd.s32 $0xFFFFFFE0, s18  }
0x8e: {  	s20 =	sand.u32 $0x3C00, s15;
	v12 =	vsel vm1, v11, v8;
	vm3 =	vgt.f32 v17, v18;
	vm4 =	veq.f32 v17, v18;
	s17 =	smov.u32 s18;
	s16 =	sadd.s32 $0x40, s18  }
0x8f: {  	v11 =	vsel vm1, v8, v11;
	s21 =	sand.u32 $0x40, s19;
	s20 =	sadd.s32 s20, s14;
	v19 =	vor.u32 s19, v0;
	s22 =	sand.u32 $0x60, s17;
	vm1 =	vmand vm2, vm4;
	v20, v8, _ =	vpop (xrf1)  }
0x90: {  	p0 =	sne.s32 s18, $0x7E0;
	s21 =	sadd.s32 s21, s20;
	s20 =	sadd.s32 s22, s20;
	vm1 =	vmor vm3, vm1;
	v20 =	vsub.f32 $0.0e+00, v20  }
0x91: {  	v21 =	vld.idx.msk [tilespmem:v5+s20+$0x0 ss:$0x1], $0xffff;
	v25 =	vsel vm1, v17, v18;
	v23 =	vsel vm1, v15, v14;
	v17 =	vsel vm1, v18, v17  }
0x92: {  	v14 =	vsel vm1, v14, v15;
	v18 =	vld.idx.msk [tilespmem:v5+s21+$0x0 ss:$0x1], $0xffff;
	v15 =	vsub.f32 $0.0e+00, v25;
	v17 =	vsub.f32 $0.0e+00, v17;
	v22, v24, _ =	vpop (xrf1)  }
0x93: {  	v26 =	vsel vm0, v13, v16;
	v27 =	vsel vm0, v7, v10;
	v25 =	vld.idx.msk [tilespmem:v5+s21+$0x10 ss:$0x1], $0xffff;
	v22 =	vsub.f32 $0.0e+00, v22;
	v28, v29, _ =	vpop (xrf1)  }
0x94: {  	v13 =	vsel vm0, v16, v13;
	v30 =	vor.u32 s19, v1;
	v31 =	vld.idx.msk [tilespmem:v5+s21+$0x30 ss:$0x1], $0xffff;
	(xrf1) =	vsort.ascd.msk.f32 $0xffff, v15, v23;
	v15 =	vsub.f32 $0.0e+00, v26;
	v23, v16, _ =	vpop (xrf1)  }
0x95: {  	v13 =	vsub.f32 $0.0e+00, v13;
	(xrf1) =	vsort.ascd.msk.f32 $0xffff, v17, v14;
	v14 =	vsub.f32 $0.0e+00, v28;
	v17 =	vperm.xlane v22, v2  }
0x96: {  	v7 =	vsel vm0, v10, v7;
	v22 =	vperm.xlane v24, v2;
	v10 =	vsub.f32 $0.0e+00, v23;
	(xrf1) =	vsort.ascd.msk.f32 $0xffff, v15, v27  }
0x97: {  	v15 =	vsub.f32 $0.0e+00, v21;
	v21 =	vperm.xlane v29, v2;
	v14 =	vperm.xlane v14, v2;
	(xrf1) =	vsort.ascd.msk.f32 $0xffff, v13, v7  }
0x98: {  	v7 =	vsub.f32 $0.0e+00, v18;
	vm0 =	veq.f32 v20, v17;
	vm1 =	vlt.s32 v8, v22  }
0x99: {  	v13 =	vsub.f32 $0.0e+00, v25;
	vm2 =	vgt.f32 v10, v14;
	vm3 =	veq.f32 v10, v14  }
0x9a: {  	v18 =	vor.u32 s17, v1;
	vm4 =	vlt.s32 v16, v21;
	v23 =	vsub.f32 $0.0e+00, v31;
	(xrf1) =	vsort.ascd.msk.f32 $0xffff, v7, v19  }
0x9b: {  	vm5 =	vgt.f32 v20, v17;
	vm0 =	vmand vm0, vm1;
	vm1 =	vmand vm3, vm4;
	(xrf1) =	vsort.ascd.msk.f32 $0xffff, v13, v30  }
0x9c: {  	vm0 =	vmor vm5, vm0;
	v7 =	vor.u32 s17, v0;
	vm1 =	vmor vm2, vm1;
	(xrf1) =	vsort.ascd.msk.f32 $0xffff, v23, v18  }
0x9d: {  	(xrf1) =	vsort.ascd.msk.f32 $0xffff, v15, v7;
	v7 =	vsel vm1, v10, v14;
	v10 =	vsel vm1, v16, v21  }
0x9e: {  	v8 =	vsel vm0, v8, v22;
	v13 =	vsel vm0, v20, v17  }
0x9f: {  	vm0 =	vgt.f32 v13, v7;
	vm1 =	veq.f32 v13, v7;
	vm2 =	vlt.s32 v8, v10  }
0xa0: {  	vm1 =	vmand vm1, vm2  }
0xa1: {  	v9 =	vsub.f32 $0.0e+00, v9;
	vm0 =	vmor vm0, vm1  }
0xa2: {  	v22 =	vsel vm0, v13, v7;
	v17 =	vsel vm0, v8, v10;
	v7 =	vsel vm0, v7, v13;
	v14, v15, _ =	vpop (xrf1)  }
0xa3: {  	v13 =	vsub.f32 $0.0e+00, v14;
	v14 =	vperm.xlane v15, v2;
	v15, v18, _ =	vpop (xrf1)  }
0xa4: {  	v10 =	vsel vm0, v10, v8;
	v8 =	vsub.f32 $0.0e+00, v15  }
0xa5: {  	v18 =	vperm.xlane v18, v2;
	v15 =	vsub.f32 $0.0e+00, v22;
	v19, v16, _ =	vpop (xrf1)  }
0xa6: {  	v6 =	vsub.f32 $0.0e+00, v6;
	v13 =	vperm.xlane v13, v2;
	v19 =	vsub.f32 $0.0e+00, v19;
	v21, v20, _ =	vpop (xrf1)  }
0xa7: {  	vm0 =	vlt.s32 v16, v14;
	v22 =	vperm.xlane v8, v2;
	v21 =	vsub.f32 $0.0e+00, v21;
	(xrf1) =	vsort.ascd.msk.f32 $0xffff, v15, v17  }
0xa8: {  	vm1 =	vlt.s32 v20, v18;
	vm2 =	vgt.f32 v19, v13;
	vm3 =	veq.f32 v19, v13  }
0xa9: {  	vm4 =	vgt.f32 v21, v22;
	vm5 =	veq.f32 v21, v22;
	vm0 =	vmand vm3, vm0;
	v15, v8, _ =	vpop (xrf1)  }
0xaa: {  	vm1 =	vmand vm5, vm1;
	vm0 =	vmor vm2, vm0;
	v17, v23, _ =	vpop (xrf1);
	(xrf1) =	vsort.ascd.msk.f32 $0xffff, v6, v12;
	v6 =	vsub.f32 $0.0e+00, v7  }
0xab: {  	v12 =	vsub.f32 $0.0e+00, v15;
	v7 =	vsel vm0, v16, v14;
	v17 =	vsub.f32 $0.0e+00, v17;
	v24, v15, _ =	vpop (xrf1);
	(xrf1) =	vsort.ascd.msk.f32 $0xffff, v9, v11  }
0xac: {  	vm1 =	vmor vm4, vm1;
	v11 =	vperm.xlane v23, v2;
	v14 =	vperm.xlane v15, v2;
	v9, v15, _ =	vpop (xrf1);
	(xrf1) =	vsort.ascd.msk.f32 $0xffff, v6, v10  }
0xad: {  	v13 =	vsel vm0, v19, v13;
	v6 =	vperm.xlane v17, v2;
	v17 =	vsub.f32 $0.0e+00, v9  }
0xae: {  	vm0 =	vlt.s32 v8, v11;
	v9 =	vsub.f32 $0.0e+00, v24;
	vm2 =	vlt.s32 v15, v14  }
.Ltmp0:
0xaf: {  	v10 =	vsel vm1, v20, v18;
	vm3 =	vgt.f32 v12, v6;
	vm4 =	veq.f32 v12, v6;
	(pc) =	sbr.rel @p0 .LBB2_4-.Ltmp0, $4  }
0xb0: {  	v16 =	vsel vm1, v21, v22;
	v18 =	vperm.xlane v9, v2  }
0xb1: {  	vm5 =	vlt.s32 v10, v7;
	vm0 =	vmand vm0, vm4;
	vm4 =	veq.f32 v16, v13  }
0xb2: {  	vm1 =	vmor vm3, vm0;
	vm0 =	vgt.f32 v16, v13;
	vm3 =	vmand vm4, vm5  }
0xb3: {  	s15 =	sadd.s32 $0x200, s15;
	s18 =	smov.u32 s16;
	v9 =	vsel vm1, v12, v6;
	v6 =	vsel vm1, v6, v12;
	vm0 =	vmor vm0, vm3  }
0xb4: {  	_ =	sdelay $0x2  }
0xb5: {  	vm3 =	veq.f32 v17, v18;
	vm4 =	vgt.f32 v17, v18;
	v5, v12, _ =	vpop (xrf1)  }
0xb6: {  	v33 =	vsel vm0, v13, v16;
	v34 =	vsel vm0, v16, v13;
	vm2 =	vmand vm2, vm3;
	v19, v20, _ =	vpop (xrf1)  }
0xb7: {  	v38 =	vsel vm0, v7, v10;
	vm2 =	vmor vm4, vm2;
	v5 =	vsub.f32 $0.0e+00, v5;
	v21, v22, _ =	vpop (xrf1)  }
0xb8: {  	v23 =	vsel vm2, v17, v18;
	v28 =	vsel vm2, v18, v17;
	v21 =	vsub.f32 $0.0e+00, v21  }
0xb9: {  	v29 =	vsel vm2, v15, v14;
	v30 =	vsel vm2, v14, v15;
	v31 =	vsub.f32 $0.0e+00, v19;
	v24, v25, _ =	vpop (xrf1)  }
0xba: {  	v22 =	vperm.xlane v22, v2;
	v24 =	vsub.f32 $0.0e+00, v24;
	v21 =	vperm.xlane v21, v2  }
0xbb: {  	v37 =	vsub.f32 $0.0e+00, v23;
	v17 =	vsub.f32 $0.0e+00, v28;
	v32 =	vperm.xlane v20, v2  }
0xbc: {  	v15 =	vperm.xlane v31, v2;
	vm8 =	vlt.s32 v25, v22;
	vm7 =	veq.f32 v24, v21  }
0xbd: {  	vm11 =	vlt.s32 v12, v32;
	vm9 =	vgt.f32 v24, v21;
	vm2 =	vmand vm7, vm8  }
0xbe: {  	vm10 =	veq.f32 v5, v15;
	vm12 =	vgt.f32 v5, v15;
	vm2 =	vmor vm9, vm2  }
0xbf: {  	v35 =	vsel vm2, v24, v21;
	v36 =	vsel vm2, v25, v22;
	vm2 =	vmand vm10, vm11  }
0xc0: {  	v7 =	vsel vm0, v10, v7;
	v39 =	vsub.f32 $0.0e+00, v33;
	(xrf1) =	vsort.ascd.msk.f32 $0xffff, v37, v29;
	vm2 =	vmor vm12, vm2  }
0xc1: {  	v13 =	vsub.f32 $0.0e+00, v34;
	(xrf1) =	vsort.ascd.msk.f32 $0xffff, v17, v30;
	v5 =	vsel vm2, v5, v15;
	v12 =	vsel vm2, v12, v32  }
0xc2: {  	(xrf1) =	vsort.ascd.msk.f32 $0xffff, v39, v38;
	vm13 =	veq.f32 v5, v35;
	vm14 =	vlt.s32 v12, v36  }
0xc3: {  	(xrf1) =	vsort.ascd.msk.f32 $0xffff, v13, v7;
	vm15 =	vgt.f32 v5, v35;
	vm2 =	vmand vm13, vm14  }
0xc4: {  	vm8 =	vmor vm15, vm2  }
0xc5: {  	v7 =	vsel vm8, v5, v35  }
0xc6: {  	v7 =	vsub.f32 $0.0e+00, v7  }
0xc7: {  	v6 =	vsub.f32 $0.0e+00, v6;
	v40 =	vsel vm8, v12, v36  }
0xc8: {  	v41 =	vsel vm1, v11, v8;
	v9 =	vsub.f32 $0.0e+00, v9;
	(xrf1) =	vsort.ascd.msk.f32 $0xffff, v7, v40  }
0xc9: {  	v5 =	vsel vm8, v35, v5;
	v7 =	vsel vm1, v8, v11;
	(xrf1) =	vsort.ascd.msk.f32 $0xffff, v6, v41  }
0xca: {  	v5 =	vsub.f32 $0.0e+00, v5;
	v6 =	vsel vm8, v36, v12;
	(xrf1) =	vsort.ascd.msk.f32 $0xffff, v9, v7;
	_ =	sdelay $0x1  }
0xcb: {  	(xrf1) =	vsort.ascd.msk.f32 $0xffff, v5, v6;
	_ =	sdelay $0x1  }
0xcc: {  	v5, v6, _ =	vpop (xrf1)  }
0xcd: {  	v7, v8, _ =	vpop (xrf1);
	v5 =	vsub.f32 $0.0e+00, v5  }
0xce: {  	v6 =	vperm.xlane v6, v2;
	v43, v42, _ =	vpop (xrf1);
	v7 =	vsub.f32 $0.0e+00, v7  }
0xcf: {  	v8 =	vperm.xlane v8, v2;
	v5 =	vperm.xlane v5, v2;
	v44, v45, _ =	vpop (xrf1)  }
0xd0: {  	v9 =	vsub.f32 $0.0e+00, v43;
	v7 =	vperm.xlane v7, v2;
	v11 =	vsub.f32 $0.0e+00, v44  }
0xd1: {  	vm9 =	vlt.s32 v42, v6;
	vm12 =	vlt.s32 v45, v8  }
0xd2: {  	vm10 =	veq.f32 v9, v5;
	vm11 =	vgt.f32 v9, v5;
	vm13 =	veq.f32 v11, v7  }
0xd3: {  	vm0 =	vmand vm10, vm9;
	vm14 =	vgt.f32 v11, v7;
	vm1 =	vmand vm13, vm12  }
0xd4: {  	vm0 =	vmor vm11, vm0;
	vm1 =	vmor vm14, vm1;
	v47, v46, _ =	vpop (xrf1)  }
0xd5: {  	v6 =	vsel vm0, v42, v6;
	v5 =	vsel vm0, v9, v5;
	v8 =	vsel vm1, v45, v8;
	v49, v48, _ =	vpop (xrf1)  }
0xd6: {  	v7 =	vsel vm1, v11, v7;
	v53 =	vsub.f32 $0.0e+00, v47;
	v50 =	vsub.f32 $0.0e+00, v49;
	v52, v51, _ =	vpop (xrf1)  }
0xd7: {  	vm0 =	veq.f32 v7, v5;
	v15 =	vperm.xlane v48, v2;
	v10 =	vsub.f32 $0.0e+00, v52  }
0xd8: {  	vm15 =	vlt.s32 v8, v6;
	v54, v55, _ =	vpop (xrf1);
	v16 =	vperm.xlane v51, v2;
	v9 =	vperm.xlane v50, v2  }
0xd9: {  	vm12 =	vgt.f32 v7, v5;
	v12 =	vsub.f32 $0.0e+00, v54;
	v10 =	vperm.xlane v10, v2  }
0xda: {  	vm9 =	vlt.s32 v46, v15;
	vm5 =	vlt.s32 v55, v16;
	vm8 =	veq.f32 v53, v9  }
0xdb: {  	vm13 =	vgt.f32 v53, v9;
	vm10 =	veq.f32 v12, v10;
	vm2 =	vmand vm8, vm9  }
0xdc: {  	vm11 =	vgt.f32 v12, v10;
	vm4 =	vmand vm10, vm5;
	vm14 =	vmor vm13, vm2  }
0xdd: {  	vm0 =	vmand vm0, vm15;
	vm3 =	vmor vm11, vm4;
	v9 =	vsel vm14, v53, v9  }
0xde: {  	v57 =	vsel vm14, v46, v15;
	v10 =	vsel vm3, v12, v10;
	v56 =	vsel vm3, v55, v16  }
0xdf: {  	vm0 =	vmor vm12, vm0;
	vm15 =	veq.f32 v9, v10;
	vm6 =	vlt.s32 v57, v56  }
0xe0: {  	v58 =	vsel vm0, v5, v7;
	vm7 =	vgt.f32 v9, v10;
	vm1 =	vmand vm15, vm6  }
0xe1: {  	v5 =	vsel vm0, v7, v5;
	v7 =	vsub.f32 $0.0e+00, v58;
	vm1 =	vmor vm7, vm1  }
0xe2: {  	v59 =	vsel vm0, v6, v8;
	v5 =	vsub.f32 $0.0e+00, v5;
	v60 =	vsel vm1, v9, v10  }
0xe3: {  	v6 =	vsel vm0, v8, v6;
	(xrf1) =	vsort.ascd.msk.f32 $0xffff, v7, v59;
	v7 =	vsel vm1, v10, v9;
	v61 =	vsub.f32 $0.0e+00, v60  }
0xe4: {  	(xrf1) =	vsort.ascd.msk.f32 $0xffff, v5, v6;
	v5 =	vsel vm1, v57, v56;
	v6 =	vsub.f32 $0.0e+00, v7  }
0xe5: {  	v7 =	vsel vm1, v56, v57;
	(xrf1) =	vsort.ascd.msk.f32 $0xffff, v61, v5  }
0xe6: {  	(xrf1) =	vsort.ascd.msk.f32 $0xffff, v6, v7;
	_ =	sdelay $0xa  }
0xe7: {  	v5, v6, _ =	vpop (xrf1)  }
0xe8: {  	v5 =	vsub.f32 $0.0e+00, v5;
	v7, v62, _ =	vpop (xrf1)  }
0xe9: {  	v6 =	vperm.xlane v6, v2;
	v7 =	vsub.f32 $0.0e+00, v7;
	v9, v10, _ =	vpop (xrf1)  }
0xea: {  	v8 =	vperm.xlane v62, v2;
	v5 =	vperm.xlane v5, v2;
	v9 =	vsub.f32 $0.0e+00, v9;
	v11, v12, _ =	vpop (xrf1)  }
0xeb: {  	v7 =	vperm.xlane v7, v2;
	v11 =	vsub.f32 $0.0e+00, v11  }
0xec: {  	vm10 =	vlt.s32 v10, v6;
	vm12 =	vlt.s32 v12, v8;
	vm9 =	veq.f32 v9, v5  }
0xed: {  	vm8 =	vgt.f32 v9, v5;
	vm1 =	vmand vm9, vm10;
	vm11 =	veq.f32 v11, v7  }
0xee: {  	vm13 =	vgt.f32 v11, v7;
	vm0 =	vmor vm8, vm1;
	vm2 =	vmand vm11, vm12  }
0xef: {  	v5 =	vsel vm0, v9, v5;
	vm1 =	vmor vm13, vm2  }
0xf0: {  	v6 =	vsel vm0, v10, v6;
	v7 =	vsel vm1, v11, v7;
	v8 =	vsel vm1, v12, v8  }
0xf1: {  	vm14 =	veq.f32 v5, v7;
	vm1 =	vlt.s32 v6, v8  }
0xf2: {  	vm15 =	vgt.f32 v5, v7;
	vm0 =	vmand vm14, vm1  }
0xf3: {  	vm0 =	vmor vm15, vm0  }
0xf4: {  	v9 =	vsel vm0, v5, v7  }
0xf5: {  	v5 =	vsel vm0, v7, v5;
	v7 =	vsub.f32 $0.0e+00, v9  }
0xf6: {  	v63 =	vsel vm0, v6, v8;
	v5 =	vsub.f32 $0.0e+00, v5  }
0xf7: {  	v6 =	vsel vm0, v8, v6;
	(xrf1) =	vsort.ascd.msk.f32 $0xffff, v7, v63  }
0xf8: {  	(xrf1) =	vsort.ascd.msk.f32 $0xffff, v5, v6;
	_ =	sdelay $0x8  }
0xf9: {  	s12 =	sadd.s32 $0x1, s12  }
0xfa: {  	p0 =	sne.s32 s12, $0x10  }
.Ltmp1:
0xfb: {  	_ = 	snop;
	(pc) =	sbr.rel @p0 .LBB2_3-.Ltmp1, $4  }
0xfc: {  	_ = 	snop  }
0xfd: {  	_, v5, _ =	vpop (xrf1)  }
0xfe: {  	_, v6, _ =	vpop (xrf1);
	[tilespmem:s13+$0x8000] =	vst v5  }
0xff: {  	[tilespmem:s13+$0x8010] =	vst v6  }
0x100: {  	s10 =	sadd.s32 $0x1, s10  }
0x101: {  	s11 =	sshll.u32 s11, $0x4;
	p0 =	sne.s32 s10, $0x4  }
.Ltmp2:
0x102: {  	s11 =	sadd.s32 s1, s11;
	(pc) =	sbr.rel @p0 .LBB2_2-.Ltmp2, $4  }
0x103: {  	[hbm4b:s11+s2] =	stream.linear.scatter [tilespmem:s8], [sflag:$0x1], $0x800, $0x38;
	[tilespmem:$0x8800] =	vst v63  }
0x104: {  	_ =	swait.ge [sflag:s7], $0x800  }
0x105: {  	[sflag:s7] =	ssyncset.done $0x0  }
0x106: {  	[sflag:s7] =	ssyncadd.s32 $0xFFFFF800  }
0x107: {  	s9 =	sadd.s32 $0x1, s9  }
0x108: {  	p0 =	sne.s32 s9, s6  }
.Ltmp3:
0x109: {  	_ = 	snop;
	(pc) =	sbr.rel @p0 .LBB2_1-.Ltmp3, $1  }
0x10a: {  	_ =	sdelay $0x3  }
0x10b: {  	_ =	sfence.sel $0x180000  }
0x10c: {  	[bflag:$0x0] =	sbarrier.arrive $0xFFFF  }
0x10d: {  	p0 =	sne.s32 s3, $0x0;
	_ =	strace $0x90000047  }
0x10e: {  	s0 =	sadd.s32 @!p0 $0x100000, s0;
	[bflag:$0x2] =	sbarrier.arrive $0xFFFF  }
0x10f: {  	[sflag:s0] =	ssyncadd.tile.s32 @!p0 $0x1;
	_ =	shalt  }
.Lfunc_end2:
_tile_overlayer_lowered:
.L_overlay_start_2:
0x110: {  	(tag) =	ssettag $0x2  }
0x111: {  	s0 =	rddreg [dreg:$0x0];
	s2 =	stileid.u32  }
0x112: {  	s1 =	rddreg [dreg:$0x1];
	p0 =	sne.s32 s2, $0x0  }
0x113: {  	s3 =	rddreg [dreg:$0x2];
	[bflag:$0x3] =	sbarrier.arrive $0xFFFF;
	s2 =	simm.s32 @!p0 $0x1C01  }
0x114: {  	[timem:s3], [sflag:s2] =	dma.local @!p0 [hbm:s0], s1  }
0x115: {  	s0 =	simm.s32 @!p0 $0x1  }
0x116: {  	_ =	swait.ge @!p0 [sflag:s0], s1  }
0x117: {  	s1 =	ssub.s32 @!p0 $0x0, s1;
	[sflag:s0] =	ssyncset.done @!p0 $0x0  }
0x118: {  	[sflag:s0] =	ssyncadd.s32 @!p0 s1  }
0x119: {  	[bflag:$0x3] =	sbarrier.arrive $0xFFFF  }
0x11a: {  	_ =	shalt  }

</sc_bundles>
